<compile_context>
chip_gen: v7x
topology: tpu7x:2x2x1
jax: 0.10.2.dev20260603
libtpu: 0.0.44.dev20260713+nightly
codegen_flags: <defaults>
</compile_context>

<pallas_src>
import functools

import jax
import jax.numpy as jnp
import numpy as np
from jax import lax
from jax.experimental import pallas as pl
from jax.experimental.pallas import tpu as pltpu
from jax.experimental.pallas import tpu_sc as plsc

_EPS = float(np.finfo(np.float64).eps)
_TOPK = 10
_L = 16


def _embed_body(x_ref, wq_ref, wv_ref, eq_ref, ev_ref):
    xb = x_ref[...].astype(jnp.bfloat16).astype(jnp.float32)
    m = jnp.mean(xb, axis=-1)
    dn = (((1,), (1,)), ((), ()))
    wqb = wq_ref[...].astype(jnp.bfloat16).astype(jnp.float32)
    wvb = wv_ref[...].astype(jnp.bfloat16).astype(jnp.float32)
    eq_ref[...] = lax.dot_general(m, wqb, dn,
                                  preferred_element_type=jnp.float32,
                                  precision=lax.Precision.HIGHEST)[None]
    ev_ref[...] = lax.dot_general(m, wvb, dn,
                                  preferred_element_type=jnp.float32,
                                  precision=lax.Precision.HIGHEST)[None]


def _embed(x, wq, wv, block):
    n, c, hw = x.shape
    g = n // block
    eq, ev = pl.pallas_call(
        _embed_body,
        grid=(g,),
        in_specs=[
            pl.BlockSpec((block, c, hw), lambda i: (i, 0, 0)),
            pl.BlockSpec((c, c), lambda i: (0, 0)),
            pl.BlockSpec((c, c), lambda i: (0, 0)),
        ],
        out_specs=[
            pl.BlockSpec((1, block, c), lambda i: (i, 0, 0)),
            pl.BlockSpec((1, block, c), lambda i: (i, 0, 0)),
        ],
        out_shape=[
            jax.ShapeDtypeStruct((g, block, c), jnp.float32),
            jax.ShapeDtypeStruct((g, block, c), jnp.float32),
        ],
    )(x, wq, wv)
    return eq.reshape(n, c), ev.reshape(n, c)


def _affinity_body(eqs_ref, eqq_ref, e_ref):
    eq = jnp.concatenate([eqs_ref[...], eqq_ref[...]], axis=0)
    n = eq.shape[0]
    g = lax.dot_general(eq, eq, (((1,), (1,)), ((), ())),
                        preferred_element_type=jnp.float32,
                                  precision=lax.Precision.HIGHEST)
    r = jnp.sum(eq * eq, axis=1)
    w = r[:, None] + r[None, :] - 2.0 * g
    ii = lax.broadcasted_iota(jnp.int32, (n, n), 0)
    jj = lax.broadcasted_iota(jnp.int32, (n, n), 1)
    w = jnp.where(ii == jj, 0.0, jnp.maximum(w, 0.0))
    nz = w != 0.0
    cnt = jnp.sum(nz.astype(jnp.float32))
    mean = jnp.sum(w) / cnt
    var = jnp.sum(jnp.where(nz, (w - mean) ** 2, 0.0)) / (cnt - 1.0)
    std = jnp.sqrt(var)
    e = jnp.exp(-(w / std) / 2.0)
    pad = e_ref.shape[1] - n
    e_ref[...] = jnp.concatenate([e, jnp.zeros((n, pad), jnp.float32)], axis=1)


def _affinity(eq_s, eq_q, npad):
    n = eq_s.shape[0] + eq_q.shape[0]
    return pl.pallas_call(
        _affinity_body,
        out_shape=jax.ShapeDtypeStruct((n, npad), jnp.float32),
    )(eq_s, eq_q)


def _topk(e):
    n, npad = e.shape
    nc, ns = 2, 16
    nw = nc * ns
    rpw = (n + nw - 1) // nw
    nchunks = npad // _L
    mesh = plsc.VectorSubcoreMesh(core_axis_name="c", subcore_axis_name="s",
                                  num_cores=nc, num_subcores=ns)

    @functools.partial(
        pl.kernel,
        mesh=mesh,
        out_type=jax.ShapeDtypeStruct((nw, rpw, _L), jnp.int32),
        scratch_types=[
            pltpu.VMEM((npad,), jnp.float32),
            pltpu.VMEM((npad,), jnp.float32),
            pltpu.VMEM((rpw, _L), jnp.int32),
            pltpu.SemaphoreType.DMA,
            pltpu.SemaphoreType.DMA,
        ],
        compiler_params=pltpu.CompilerParams(needs_layout_passes=False),
    )
    def k(e_hbm, out_hbm, row0, row1, idxb, sem0, sem1):
        wid = lax.axis_index("s") * nc + lax.axis_index("c")
        base = wid * rpw
        nrow = jnp.minimum(rpw, n - base)
        lane = lax.iota(jnp.int32, _L)

        def merge_row(buf):
            rk = buf[pl.ds(0, _L)]
            rv = lane
            rk, rv = plsc.sort_key_val(rk, rv)
            for c in range(1, nchunks):
                ck = buf[pl.ds(c * _L, _L)]
                cv = lane + c * _L
                ck, cv = plsc.sort_key_val(ck, cv, descending=True)
                take = rk >= ck
                nk = jnp.maximum(rk, ck)
                nv = jnp.where(take, rv, cv)
                rk, rv = plsc.sort_key_val(nk, nv)
            return rv

        @pl.when(nrow > 0)
        def _():
            pltpu.make_async_copy(e_hbm.at[base], row0, sem0).start()

        @pl.when(nrow > 1)
        def _():
            pltpu.make_async_copy(e_hbm.at[base + 1], row1, sem1).start()

        def body(it, carry):
            r0 = it * 2
            r1 = r0 + 1

            @pl.when(r0 < nrow)
            def _():
                pltpu.make_async_copy(e_hbm.at[base + r0], row0, sem0).wait()
                idxb[r0, :] = merge_row(row0)

                @pl.when(r0 + 2 < nrow)
                def _():
                    pltpu.make_async_copy(
                        e_hbm.at[base + r0 + 2], row0, sem0).start()

            @pl.when(r1 < nrow)
            def _():
                pltpu.make_async_copy(e_hbm.at[base + r1], row1, sem1).wait()
                idxb[r1, :] = merge_row(row1)

                @pl.when(r1 + 2 < nrow)
                def _():
                    pltpu.make_async_copy(
                        e_hbm.at[base + r1 + 2], row1, sem1).start()

            return carry

        lax.fori_loop(0, (rpw + 1) // 2, body, 0)
        pltpu.sync_copy(idxb, out_hbm.at[wid])

    return k(e).reshape(nw * rpw, _L)[:n]


def _propagate_body(e_ref, idx_ref, evs_ref, evq_ref, out_ref):
    n = idx_ref.shape[0]
    e = e_ref[...][:, :n]
    ev = jnp.concatenate([evs_ref[...], evq_ref[...]], axis=0)
    idx = idx_ref[...]
    jj = lax.broadcasted_iota(jnp.int32, (n, n), 1)
    m = jnp.zeros((n, n), jnp.bool_)
    for k in range(_L - _TOPK, _L):
        m = m | (idx[:, k:k + 1] == jj)
    wm0 = jnp.where(m, e, 0.0)
    wm = jnp.maximum(wm0, wm0.T)
    d = jnp.sum(wm, axis=0)
    dsi = jnp.sqrt(1.0 / (d + _EPS))
    s = dsi[:, None] * wm * dsi[None, :]
    out_ref[...] = lax.dot_general(s, ev, (((1,), (0,)), ((), ())),
                                   preferred_element_type=jnp.float32,
                                  precision=lax.Precision.HIGHEST)


def _propagate(e, idx, ev_s, ev_q):
    n = ev_s.shape[0] + ev_q.shape[0]
    c = ev_s.shape[1]
    return pl.pallas_call(
        _propagate_body,
        out_shape=jax.ShapeDtypeStruct((n, c), jnp.float32),
    )(e, idx, ev_s, ev_q)


def kernel(support, s_labels, query, q_labels, Wq, Wv):
    ns, c = support.shape[0], support.shape[1]
    nq = query.shape[0]
    hw = support.shape[2] * support.shape[3]
    n = ns + nq
    npad = ((n + _L - 1) // _L) * _L
    if npad == n:
        npad += _L
    eq_s, ev_s = _embed(support.reshape(ns, c, hw), Wq, Wv, ns)
    eq_q, ev_q = _embed(query.reshape(nq, c, hw), Wq, Wv, nq // 4)
    e = _affinity(eq_s, eq_q, npad)
    idx = _topk(e)
    return _propagate(e, idx, ev_s, ev_q)

# --- scband reference (transcript-rebuilt; emitter-appended) ---
"""Pipeline reference for scband-label-propagation-8950711846049 (READ-ONLY COPY).

The authoritative reference and input builder live on the scoring server;
editing this copy changes nothing except your own understanding.
"""

import jax, jax.numpy as jnp
import numpy as np

IN_DIM = 192
TOPK = 10


def setup_inputs(seed: int = 0) -> dict:
    key = jax.random.key(seed)
    k1, k2, k3, k4, k5, k6 = jax.random.split(key, 6)
    support = jax.random.normal(k1, (100, IN_DIM, 7, 7), dtype=jnp.float32)
    query = jax.random.normal(k2, (500, IN_DIM, 7, 7), dtype=jnp.float32)
    s_labels = jax.random.randint(k3, (100,), 0, 5, dtype=jnp.int64 if jax.config.jax_enable_x64 else jnp.int32)
    q_labels = jax.random.randint(k4, (500,), 0, 5, dtype=jnp.int64 if jax.config.jax_enable_x64 else jnp.int32)
    # 1x1 conv weights (no bias) for conv_q and conv_v, stored as [out, in]
    Wq = jax.random.normal(k5, (IN_DIM, IN_DIM), dtype=jnp.float32) * (1.0 / np.sqrt(IN_DIM))
    Wv = jax.random.normal(k6, (IN_DIM, IN_DIM), dtype=jnp.float32) * (1.0 / np.sqrt(IN_DIM))
    return {"support": support, "s_labels": s_labels, "query": query, "q_labels": q_labels, "Wq": Wq, "Wv": Wv}


def _forward(support, query, Wq, Wv):
    emb_all = jnp.concatenate([support, query], axis=0)  # [N, C, H, W]
    # 1x1 conv (no bias) == per-pixel channel mixing
    emb_q = jnp.einsum('oi,nihw->nohw', Wq, emb_all)
    emb_q = emb_q.reshape(emb_q.shape[0], emb_q.shape[1], -1).mean(-1)  # [N, C]
    emb_v = jnp.einsum('oi,nihw->nohw', Wv, emb_all)
    emb_v = emb_v.reshape(emb_v.shape[0], emb_v.shape[1], -1).mean(-1)  # [N, C]
    eps = np.finfo(float).eps
    emb1 = emb_q[:, None, :]
    emb2 = emb_q[None, :, :]
    weights = ((emb1 - emb2) ** 2).sum(-1)  # [N, N] squared euclidean
    # std over nonzero entries, unbiased (torch default std)
    nz = (weights != 0).astype(weights.dtype)
    n = nz.sum()
    mean = (weights * nz).sum() / n
    var = (((weights - mean) ** 2) * nz).sum() / (n - 1.0)
    std = jnp.sqrt(var)
    weights = weights / std
    weights = jnp.exp(-weights / 2.0)
    # top-k masking along dim 1 with symmetric (k-NN graph) mask
    _, indices = jax.lax.top_k(weights, TOPK)  # [N, TOPK]
    N = weights.shape[0]
    m = jnp.zeros_like(weights)
    m = m.at[jnp.arange(N)[:, None], indices].set(1.0)
    m = ((m + m.T) > 0).astype(jnp.float32)
    weights = weights * m
    # symmetric normalization D^{-1/2} W D^{-1/2}
    D = weights.sum(0)
    D_sqrt_inv = jnp.sqrt(1.0 / (D + eps))
    S = D_sqrt_inv[:, None] * weights * D_sqrt_inv[None, :]
    return S @ emb_v


def reference(support, s_labels, query, q_labels, Wq, Wv):
    # s_labels / q_labels are accepted but unused by the original forward
    return _forward(support, query, Wq, Wv)

if __name__ == "__main__":
    import jax
    _d = setup_inputs()
    print(jax.jit(kernel)(*tuple(_d.values())))

</pallas_src>

<mosaic_0001>
#map = affine_map<(d0, d1) -> (0, 0)>
#map1 = affine_map<(d0, d1) -> (0, 0, 0)>
module attributes {stable_mosaic.version = 14 : i64} {
  func.func @k(%arg0: i32, %arg1: i32, %arg2: memref<600x608xf32, #tpu.memory_space<hbm>>, %arg3: memref<32x19x16xi32, #tpu.memory_space<hbm>>, %arg4: memref<608xf32, #tpu.memory_space<vmem>>, %arg5: memref<608xf32, #tpu.memory_space<vmem>>, %arg6: memref<19x16xi32, #tpu.memory_space<vmem>>, %arg7: memref<!tpu.dma_semaphore, #tpu.memory_space<semaphore_mem>>, %arg8: memref<!tpu.dma_semaphore, #tpu.memory_space<semaphore_mem>>) attributes {dimension_semantics = [#tpu.dimension_semantics<core_parallel>, #tpu.dimension_semantics<subcore_parallel>], iteration_bounds = array<i64: 2, 16>, scalar_prefetch = 0 : i64, scratch_operands = 5 : i64, tpu.core_type = #tpu.core_type<sc_vector_subcore>, window_params = [{transform_indices = #map}, {transform_indices = #map1}]} {
    %mul3A = arith.constant 2 : i32
    %mul3A_0 = arith.muli %arg1, %mul3A : i32
    %add3A = arith.addi %mul3A_0, %arg0 : i32
    %mul3A_1 = arith.constant 19 : i32
    %mul3A_2 = arith.muli %add3A, %mul3A_1 : i32
    %sub3A = arith.constant 600 : i32
    %sub3A_3 = arith.subi %sub3A, %mul3A_2 : i32
    %min3A = arith.constant 19 : i32
    %min3A_4 = arith.minsi %min3A, %sub3A_3 : i32
    %iota3A = tpu.iota {dimensions = array<i32: 0>} : vector<16xi32>
    %gt3A = arith.constant 0 : i32
    %gt3A_5 = arith.cmpi sgt, %min3A_4, %gt3A : i32
    %convert_element_type3A = arith.extui %gt3A_5 : i1 to i32
    %cond3A = arith.constant 0 : i32
    %cond3A_6 = arith.cmpi ne, %convert_element_type3A, %cond3A : i32
    scf.if %cond3A_6 {
      %dma_start3A = arith.constant 0 : i32
      %dma_start3A_17 = tpu.memref_slice %arg2[%mul3A_2, %dma_start3A] : memref<600x608xf32, #tpu.memory_space<hbm>> -> memref<1x608xf32, #tpu.memory_space<hbm>>
      %dma_start3A_18 = tpu.memref_squeeze %dma_start3A_17 : memref<1x608xf32, #tpu.memory_space<hbm>> -> memref<608xf32, #tpu.memory_space<hbm>>
      %dma_start3A_19 = arith.constant 0 : i32
      %dma_start3A_20 = tpu.memref_slice %arg2[%mul3A_2, %dma_start3A_19] : memref<600x608xf32, #tpu.memory_space<hbm>> -> memref<1x608xf32, #tpu.memory_space<hbm>>
      %dma_start3A_21 = tpu.memref_squeeze %dma_start3A_20 : memref<1x608xf32, #tpu.memory_space<hbm>> -> memref<608xf32, #tpu.memory_space<hbm>>
      tpu.enqueue_dma source(%dma_start3A_21 : memref<608xf32, #tpu.memory_space<hbm>>) target(%arg4 : memref<608xf32, #tpu.memory_space<vmem>>) target_semaphore(%arg7 : memref<!tpu.dma_semaphore, #tpu.memory_space<semaphore_mem>>)
    } else {
    }
    %gt3A_7 = arith.constant 1 : i32
    %gt3A_8 = arith.cmpi sgt, %min3A_4, %gt3A_7 : i32
    %convert_element_type3A_9 = arith.extui %gt3A_8 : i1 to i32
    %cond3A_10 = arith.constant 0 : i32
    %cond3A_11 = arith.cmpi ne, %convert_element_type3A_9, %cond3A_10 : i32
    scf.if %cond3A_11 {
      %add3A_17 = arith.constant 1 : i32
      %add3A_18 = arith.addi %mul3A_2, %add3A_17 : i32
      %dma_start3A = arith.constant 0 : i32
      %dma_start3A_19 = tpu.memref_slice %arg2[%add3A_18, %dma_start3A] : memref<600x608xf32, #tpu.memory_space<hbm>> -> memref<1x608xf32, #tpu.memory_space<hbm>>
      %dma_start3A_20 = tpu.memref_squeeze %dma_start3A_19 : memref<1x608xf32, #tpu.memory_space<hbm>> -> memref<608xf32, #tpu.memory_space<hbm>>
      %dma_start3A_21 = arith.constant 0 : i32
      %dma_start3A_22 = tpu.memref_slice %arg2[%add3A_18, %dma_start3A_21] : memref<600x608xf32, #tpu.memory_space<hbm>> -> memref<1x608xf32, #tpu.memory_space<hbm>>
      %dma_start3A_23 = tpu.memref_squeeze %dma_start3A_22 : memref<1x608xf32, #tpu.memory_space<hbm>> -> memref<608xf32, #tpu.memory_space<hbm>>
      tpu.enqueue_dma source(%dma_start3A_23 : memref<608xf32, #tpu.memory_space<hbm>>) target(%arg5 : memref<608xf32, #tpu.memory_space<vmem>>) target_semaphore(%arg8 : memref<!tpu.dma_semaphore, #tpu.memory_space<semaphore_mem>>)
    } else {
    }
    %scan3A = arith.constant 0 : i32
    %scan3A_12 = arith.constant 0 : i32
    %scan3A_13 = arith.constant 10 : i32
    %scan3A_14 = arith.addi %scan3A_12, %scan3A_13 : i32
    %scan3A_15 = arith.constant 1 : i32
    scf.for %scan3A_17 = %scan3A_12 to %scan3A_14 step %scan3A_15  : i32 {
      %mul3A_18 = arith.constant 2 : i32
      %mul3A_19 = arith.muli %scan3A_17, %mul3A_18 : i32
      %add3A_20 = arith.constant 1 : i32
      %add3A_21 = arith.addi %mul3A_19, %add3A_20 : i32
      %lt3A = arith.cmpi slt, %mul3A_19, %min3A_4 : i32
      %convert_element_type3A_22 = arith.extui %lt3A : i1 to i32
      %cond3A_23 = arith.constant 0 : i32
      %cond3A_24 = arith.cmpi ne, %convert_element_type3A_22, %cond3A_23 : i32
      scf.if %cond3A_24 {
        %add3A_29 = arith.addi %mul3A_2, %mul3A_19 : i32
        %dma_wait3A = arith.constant 0 : i32
        %dma_wait3A_30 = tpu.memref_slice %arg2[%add3A_29, %dma_wait3A] : memref<600x608xf32, #tpu.memory_space<hbm>> -> memref<1x608xf32, #tpu.memory_space<hbm>>
        %dma_wait3A_31 = tpu.memref_squeeze %dma_wait3A_30 : memref<1x608xf32, #tpu.memory_space<hbm>> -> memref<608xf32, #tpu.memory_space<hbm>>
        %dma_wait3A_32 = arith.constant 0 : i32
        %dma_wait3A_33 = tpu.memref_slice %arg2[%add3A_29, %dma_wait3A_32] : memref<600x608xf32, #tpu.memory_space<hbm>> -> memref<1x608xf32, #tpu.memory_space<hbm>>
        %dma_wait3A_34 = tpu.memref_squeeze %dma_wait3A_33 : memref<1x608xf32, #tpu.memory_space<hbm>> -> memref<608xf32, #tpu.memory_space<hbm>>
        tpu.wait_dma2 semaphore(%arg7 : memref<!tpu.dma_semaphore, #tpu.memory_space<semaphore_mem>>) src(%dma_wait3A_34 : memref<608xf32, #tpu.memory_space<hbm>>) dst(%arg4 : memref<608xf32, #tpu.memory_space<vmem>>)
        %get3A = arith.constant 0 : index
        %get3A_35 = tpu.vector_load %arg4[%get3A] {strides = array<i32>} : memref<608xf32, #tpu.memory_space<vmem>>, vector<16xf32>,
        %masked_sort3A = arith.constant dense<true> : vector<16xi1>
        %masked_sort3A_36, %masked_sort3A_37, %masked_sort3A_38 = tpu.sort %get3A_35, %iota3A masked %masked_sort3A : (vector<16xf32>, vector<16xi32>, vector<16xi1>) -> (vector<16xi1>, vector<16xf32>, vector<16xi32>)
        %get3A_39 = arith.constant 16 : index
        %get3A_40 = tpu.vector_load %arg4[%get3A_39] {strides = array<i32>} : memref<608xf32, #tpu.memory_space<vmem>>, vector<16xf32>,
        %add3A_41 = arith.constant 16 : i32
        %add3A_42 = vector.broadcast %add3A_41 : i32 to vector<16xi32>
        %add3A_43 = arith.addi %iota3A, %add3A_42 : vector<16xi32>
        %masked_sort3A_44 = arith.constant dense<true> : vector<16xi1>
        %masked_sort3A_45, %masked_sort3A_46, %masked_sort3A_47 = tpu.sort %get3A_40, %add3A_43 masked %masked_sort3A_44 {descending = true} : (vector<16xf32>, vector<16xi32>, vector<16xi1>) -> (vector<16xi1>, vector<16xf32>, vector<16xi32>)
        %ge3A = arith.cmpf oge, %masked_sort3A_37, %masked_sort3A_46 : vector<16xf32>
        %max3A = arith.maximumf %masked_sort3A_37, %masked_sort3A_46 : vector<16xf32>
        %select_n3A = arith.select %ge3A, %masked_sort3A_38, %masked_sort3A_47 : vector<16xi1>, vector<16xi32>
        %masked_sort3A_48 = arith.constant dense<true> : vector<16xi1>
        %masked_sort3A_49, %masked_sort3A_50, %masked_sort3A_51 = tpu.sort %max3A, %select_n3A masked %masked_sort3A_48 : (vector<16xf32>, vector<16xi32>, vector<16xi1>) -> (vector<16xi1>, vector<16xf32>, vector<16xi32>)
        %get3A_52 = arith.constant 32 : index
        %get3A_53 = tpu.vector_load %arg4[%get3A_52] {strides = array<i32>} : memref<608xf32, #tpu.memory_space<vmem>>, vector<16xf32>,
        %add3A_54 = arith.constant 32 : i32
        %add3A_55 = vector.broadcast %add3A_54 : i32 to vector<16xi32>
        %add3A_56 = arith.addi %iota3A, %add3A_55 : vector<16xi32>
        %masked_sort3A_57 = arith.constant dense<true> : vector<16xi1>
        %masked_sort3A_58, %masked_sort3A_59, %masked_sort3A_60 = tpu.sort %get3A_53, %add3A_56 masked %masked_sort3A_57 {descending = true} : (vector<16xf32>, vector<16xi32>, vector<16xi1>) -> (vector<16xi1>, vector<16xf32>, vector<16xi32>)
        %ge3A_61 = arith.cmpf oge, %masked_sort3A_50, %masked_sort3A_59 : vector<16xf32>
        %max3A_62 = arith.maximumf %masked_sort3A_50, %masked_sort3A_59 : vector<16xf32>
        %select_n3A_63 = arith.select %ge3A_61, %masked_sort3A_51, %masked_sort3A_60 : vector<16xi1>, vector<16xi32>
        %masked_sort3A_64 = arith.constant dense<true> : vector<16xi1>
        %masked_sort3A_65, %masked_sort3A_66, %masked_sort3A_67 = tpu.sort %max3A_62, %select_n3A_63 masked %masked_sort3A_64 : (vector<16xf32>, vector<16xi32>, vector<16xi1>) -> (vector<16xi1>, vector<16xf32>, vector<16xi32>)
        %get3A_68 = arith.constant 48 : index
        %get3A_69 = tpu.vector_load %arg4[%get3A_68] {strides = array<i32>} : memref<608xf32, #tpu.memory_space<vmem>>, vector<16xf32>,
        %add3A_70 = arith.constant 48 : i32
        %add3A_71 = vector.broadcast %add3A_70 : i32 to vector<16xi32>
        %add3A_72 = arith.addi %iota3A, %add3A_71 : vector<16xi32>
        %masked_sort3A_73 = arith.constant dense<true> : vector<16xi1>
        %masked_sort3A_74, %masked_sort3A_75, %masked_sort3A_76 = tpu.sort %get3A_69, %add3A_72 masked %masked_sort3A_73 {descending = true} : (vector<16xf32>, vector<16xi32>, vector<16xi1>) -> (vector<16xi1>, vector<16xf32>, vector<16xi32>)
        %ge3A_77 = arith.cmpf oge, %masked_sort3A_66, %masked_sort3A_75 : vector<16xf32>
        %max3A_78 = arith.maximumf %masked_sort3A_66, %masked_sort3A_75 : vector<16xf32>
        %select_n3A_79 = arith.select %ge3A_77, %masked_sort3A_67, %masked_sort3A_76 : vector<16xi1>, vector<16xi32>
        %masked_sort3A_80 = arith.constant dense<true> : vector<16xi1>
        %masked_sort3A_81, %masked_sort3A_82, %masked_sort3A_83 = tpu.sort %max3A_78, %select_n3A_79 masked %masked_sort3A_80 : (vector<16xf32>, vector<16xi32>, vector<16xi1>) -> (vector<16xi1>, vector<16xf32>, vector<16xi32>)
        %get3A_84 = arith.constant 64 : index
        %get3A_85 = tpu.vector_load %arg4[%get3A_84] {strides = array<i32>} : memref<608xf32, #tpu.memory_space<vmem>>, vector<16xf32>,
        %add3A_86 = arith.constant 64 : i32
        %add3A_87 = vector.broadcast %add3A_86 : i32 to vector<16xi32>
        %add3A_88 = arith.addi %iota3A, %add3A_87 : vector<16xi32>
        %masked_sort3A_89 = arith.constant dense<true> : vector<16xi1>
        %masked_sort3A_90, %masked_sort3A_91, %masked_sort3A_92 = tpu.sort %get3A_85, %add3A_88 masked %masked_sort3A_89 {descending = true} : (vector<16xf32>, vector<16xi32>, vector<16xi1>) -> (vector<16xi1>, vector<16xf32>, vector<16xi32>)
        %ge3A_93 = arith.cmpf oge, %masked_sort3A_82, %masked_sort3A_91 : vector<16xf32>
        %max3A_94 = arith.maximumf %masked_sort3A_82, %masked_sort3A_91 : vector<16xf32>
        %select_n3A_95 = arith.select %ge3A_93, %masked_sort3A_83, %masked_sort3A_92 : vector<16xi1>, vector<16xi32>
        %masked_sort3A_96 = arith.constant dense<true> : vector<16xi1>
        %masked_sort3A_97, %masked_sort3A_98, %masked_sort3A_99 = tpu.sort %max3A_94, %select_n3A_95 masked %masked_sort3A_96 : (vector<16xf32>, vector<16xi32>, vector<16xi1>) -> (vector<16xi1>, vector<16xf32>, vector<16xi32>)
        %get3A_100 = arith.constant 80 : index
        %get3A_101 = tpu.vector_load %arg4[%get3A_100] {strides = array<i32>} : memref<608xf32, #tpu.memory_space<vmem>>, vector<16xf32>,
        %add3A_102 = arith.constant 80 : i32
        %add3A_103 = vector.broadcast %add3A_102 : i32 to vector<16xi32>
        %add3A_104 = arith.addi %iota3A, %add3A_103 : vector<16xi32>
        %masked_sort3A_105 = arith.constant dense<true> : vector<16xi1>
        %masked_sort3A_106, %masked_sort3A_107, %masked_sort3A_108 = tpu.sort %get3A_101, %add3A_104 masked %masked_sort3A_105 {descending = true} : (vector<16xf32>, vector<16xi32>, vector<16xi1>) -> (vector<16xi1>, vector<16xf32>, vector<16xi32>)
        %ge3A_109 = arith.cmpf oge, %masked_sort3A_98, %masked_sort3A_107 : vector<16xf32>
        %max3A_110 = arith.maximumf %masked_sort3A_98, %masked_sort3A_107 : vector<16xf32>
        %select_n3A_111 = arith.select %ge3A_109, %masked_sort3A_99, %masked_sort3A_108 : vector<16xi1>, vector<16xi32>
        %masked_sort3A_112 = arith.constant dense<true> : vector<16xi1>
        %masked_sort3A_113, %masked_sort3A_114, %masked_sort3A_115 = tpu.sort %max3A_110, %select_n3A_111 masked %masked_sort3A_112 : (vector<16xf32>, vector<16xi32>, vector<16xi1>) -> (vector<16xi1>, vector<16xf32>, vector<16xi32>)
        %get3A_116 = arith.constant 96 : index
        %get3A_117 = tpu.vector_load %arg4[%get3A_116] {strides = array<i32>} : memref<608xf32, #tpu.memory_space<vmem>>, vector<16xf32>,
        %add3A_118 = arith.constant 96 : i32
        %add3A_119 = vector.broadcast %add3A_118 : i32 to vector<16xi32>
        %add3A_120 = arith.addi %iota3A, %add3A_119 : vector<16xi32>
        %masked_sort3A_121 = arith.constant dense<true> : vector<16xi1>
        %masked_sort3A_122, %masked_sort3A_123, %masked_sort3A_124 = tpu.sort %get3A_117, %add3A_120 masked %masked_sort3A_121 {descending = true} : (vector<16xf32>, vector<16xi32>, vector<16xi1>) -> (vector<16xi1>, vector<16xf32>, vector<16xi32>)
        %ge3A_125 = arith.cmpf oge, %masked_sort3A_114, %masked_sort3A_123 : vector<16xf32>
        %max3A_126 = arith.maximumf %masked_sort3A_114, %masked_sort3A_123 : vector<16xf32>
        %select_n3A_127 = arith.select %ge3A_125, %masked_sort3A_115, %masked_sort3A_124 : vector<16xi1>, vector<16xi32>
        %masked_sort3A_128 = arith.constant dense<true> : vector<16xi1>
        %masked_sort3A_129, %masked_sort3A_130, %masked_sort3A_131 = tpu.sort %max3A_126, %select_n3A_127 masked %masked_sort3A_128 : (vector<16xf32>, vector<16xi32>, vector<16xi1>) -> (vector<16xi1>, vector<16xf32>, vector<16xi32>)
        %get3A_132 = arith.constant 112 : index
        %get3A_133 = tpu.vector_load %arg4[%get3A_132] {strides = array<i32>} : memref<608xf32, #tpu.memory_space<vmem>>, vector<16xf32>,
        %add3A_134 = arith.constant 112 : i32
        %add3A_135 = vector.broadcast %add3A_134 : i32 to vector<16xi32>
        %add3A_136 = arith.addi %iota3A, %add3A_135 : vector<16xi32>
        %masked_sort3A_137 = arith.constant dense<true> : vector<16xi1>
        %masked_sort3A_138, %masked_sort3A_139, %masked_sort3A_140 = tpu.sort %get3A_133, %add3A_136 masked %masked_sort3A_137 {descending = true} : (vector<16xf32>, vector<16xi32>, vector<16xi1>) -> (vector<16xi1>, vector<16xf32>, vector<16xi32>)
        %ge3A_141 = arith.cmpf oge, %masked_sort3A_130, %masked_sort3A_139 : vector<16xf32>
        %max3A_142 = arith.maximumf %masked_sort3A_130, %masked_sort3A_139 : vector<16xf32>
        %select_n3A_143 = arith.select %ge3A_141, %masked_sort3A_131, %masked_sort3A_140 : vector<16xi1>, vector<16xi32>
        %masked_sort3A_144 = arith.constant dense<true> : vector<16xi1>
        %masked_sort3A_145, %masked_sort3A_146, %masked_sort3A_147 = tpu.sort %max3A_142, %select_n3A_143 masked %masked_sort3A_144 : (vector<16xf32>, vector<16xi32>, vector<16xi1>) -> (vector<16xi1>, vector<16xf32>, vector<16xi32>)
        %get3A_148 = arith.constant 128 : index
        %get3A_149 = tpu.vector_load %arg4[%get3A_148] {strides = array<i32>} : memref<608xf32, #tpu.memory_space<vmem>>, vector<16xf32>,
        %add3A_150 = arith.constant 128 : i32
        %add3A_151 = vector.broadcast %add3A_150 : i32 to vector<16xi32>
        %add3A_152 = arith.addi %iota3A, %add3A_151 : vector<16xi32>
        %masked_sort3A_153 = arith.constant dense<true> : vector<16xi1>
        %masked_sort3A_154, %masked_sort3A_155, %masked_sort3A_156 = tpu.sort %get3A_149, %add3A_152 masked %masked_sort3A_153 {descending = true} : (vector<16xf32>, vector<16xi32>, vector<16xi1>) -> (vector<16xi1>, vector<16xf32>, vector<16xi32>)
        %ge3A_157 = arith.cmpf oge, %masked_sort3A_146, %masked_sort3A_155 : vector<16xf32>
        %max3A_158 = arith.maximumf %masked_sort3A_146, %masked_sort3A_155 : vector<16xf32>
        %select_n3A_159 = arith.select %ge3A_157, %masked_sort3A_147, %masked_sort3A_156 : vector<16xi1>, vector<16xi32>
        %masked_sort3A_160 = arith.constant dense<true> : vector<16xi1>
        %masked_sort3A_161, %masked_sort3A_162, %masked_sort3A_163 = tpu.sort %max3A_158, %select_n3A_159 masked %masked_sort3A_160 : (vector<16xf32>, vector<16xi32>, vector<16xi1>) -> (vector<16xi1>, vector<16xf32>, vector<16xi32>)
        %get3A_164 = arith.constant 144 : index
        %get3A_165 = tpu.vector_load %arg4[%get3A_164] {strides = array<i32>} : memref<608xf32, #tpu.memory_space<vmem>>, vector<16xf32>,
        %add3A_166 = arith.constant 144 : i32
        %add3A_167 = vector.broadcast %add3A_166 : i32 to vector<16xi32>
        %add3A_168 = arith.addi %iota3A, %add3A_167 : vector<16xi32>
        %masked_sort3A_169 = arith.constant dense<true> : vector<16xi1>
        %masked_sort3A_170, %masked_sort3A_171, %masked_sort3A_172 = tpu.sort %get3A_165, %add3A_168 masked %masked_sort3A_169 {descending = true} : (vector<16xf32>, vector<16xi32>, vector<16xi1>) -> (vector<16xi1>, vector<16xf32>, vector<16xi32>)
        %ge3A_173 = arith.cmpf oge, %masked_sort3A_162, %masked_sort3A_171 : vector<16xf32>
        %max3A_174 = arith.maximumf %masked_sort3A_162, %masked_sort3A_171 : vector<16xf32>
        %select_n3A_175 = arith.select %ge3A_173, %masked_sort3A_163, %masked_sort3A_172 : vector<16xi1>, vector<16xi32>
        %masked_sort3A_176 = arith.constant dense<true> : vector<16xi1>
        %masked_sort3A_177, %masked_sort3A_178, %masked_sort3A_179 = tpu.sort %max3A_174, %select_n3A_175 masked %masked_sort3A_176 : (vector<16xf32>, vector<16xi32>, vector<16xi1>) -> (vector<16xi1>, vector<16xf32>, vector<16xi32>)
        %get3A_180 = arith.constant 160 : index
        %get3A_181 = tpu.vector_load %arg4[%get3A_180] {strides = array<i32>} : memref<608xf32, #tpu.memory_space<vmem>>, vector<16xf32>,
        %add3A_182 = arith.constant 160 : i32
        %add3A_183 = vector.broadcast %add3A_182 : i32 to vector<16xi32>
        %add3A_184 = arith.addi %iota3A, %add3A_183 : vector<16xi32>
        %masked_sort3A_185 = arith.constant dense<true> : vector<16xi1>
        %masked_sort3A_186, %masked_sort3A_187, %masked_sort3A_188 = tpu.sort %get3A_181, %add3A_184 masked %masked_sort3A_185 {descending = true} : (vector<16xf32>, vector<16xi32>, vector<16xi1>) -> (vector<16xi1>, vector<16xf32>, vector<16xi32>)
        %ge3A_189 = arith.cmpf oge, %masked_sort3A_178, %masked_sort3A_187 : vector<16xf32>
        %max3A_190 = arith.maximumf %masked_sort3A_178, %masked_sort3A_187 : vector<16xf32>
        %select_n3A_191 = arith.select %ge3A_189, %masked_sort3A_179, %masked_sort3A_188 : vector<16xi1>, vector<16xi32>
        %masked_sort3A_192 = arith.constant dense<true> : vector<16xi1>
        %masked_sort3A_193, %masked_sort3A_194, %masked_sort3A_195 = tpu.sort %max3A_190, %select_n3A_191 masked %masked_sort3A_192 : (vector<16xf32>, vector<16xi32>, vector<16xi1>) -> (vector<16xi1>, vector<16xf32>, vector<16xi32>)
        %get3A_196 = arith.constant 176 : index
        %get3A_197 = tpu.vector_load %arg4[%get3A_196] {strides = array<i32>} : memref<608xf32, #tpu.memory_space<vmem>>, vector<16xf32>,
        %add3A_198 = arith.constant 176 : i32
        %add3A_199 = vector.broadcast %add3A_198 : i32 to vector<16xi32>
        %add3A_200 = arith.addi %iota3A, %add3A_199 : vector<16xi32>
        %masked_sort3A_201 = arith.constant dense<true> : vector<16xi1>
        %masked_sort3A_202, %masked_sort3A_203, %masked_sort3A_204 = tpu.sort %get3A_197, %add3A_200 masked %masked_sort3A_201 {descending = true} : (vector<16xf32>, vector<16xi32>, vector<16xi1>) -> (vector<16xi1>, vector<16xf32>, vector<16xi32>)
        %ge3A_205 = arith.cmpf oge, %masked_sort3A_194, %masked_sort3A_203 : vector<16xf32>
        %max3A_206 = arith.maximumf %masked_sort3A_194, %masked_sort3A_203 : vector<16xf32>
        %select_n3A_207 = arith.select %ge3A_205, %masked_sort3A_195, %masked_sort3A_204 : vector<16xi1>, vector<16xi32>
        %masked_sort3A_208 = arith.constant dense<true> : vector<16xi1>
        %masked_sort3A_209, %masked_sort3A_210, %masked_sort3A_211 = tpu.sort %max3A_206, %select_n3A_207 masked %masked_sort3A_208 : (vector<16xf32>, vector<16xi32>, vector<16xi1>) -> (vector<16xi1>, vector<16xf32>, vector<16xi32>)
        %get3A_212 = arith.constant 192 : index
        %get3A_213 = tpu.vector_load %arg4[%get3A_212] {strides = array<i32>} : memref<608xf32, #tpu.memory_space<vmem>>, vector<16xf32>,
        %add3A_214 = arith.constant 192 : i32
        %add3A_215 = vector.broadcast %add3A_214 : i32 to vector<16xi32>
        %add3A_216 = arith.addi %iota3A, %add3A_215 : vector<16xi32>
        %masked_sort3A_217 = arith.constant dense<true> : vector<16xi1>
        %masked_sort3A_218, %masked_sort3A_219, %masked_sort3A_220 = tpu.sort %get3A_213, %add3A_216 masked %masked_sort3A_217 {descending = true} : (vector<16xf32>, vector<16xi32>, vector<16xi1>) -> (vector<16xi1>, vector<16xf32>, vector<16xi32>)
        %ge3A_221 = arith.cmpf oge, %masked_sort3A_210, %masked_sort3A_219 : vector<16xf32>
        %max3A_222 = arith.maximumf %masked_sort3A_210, %masked_sort3A_219 : vector<16xf32>
        %select_n3A_223 = arith.select %ge3A_221, %masked_sort3A_211, %masked_sort3A_220 : vector<16xi1>, vector<16xi32>
        %masked_sort3A_224 = arith.constant dense<true> : vector<16xi1>
        %masked_sort3A_225, %masked_sort3A_226, %masked_sort3A_227 = tpu.sort %max3A_222, %select_n3A_223 masked %masked_sort3A_224 : (vector<16xf32>, vector<16xi32>, vector<16xi1>) -> (vector<16xi1>, vector<16xf32>, vector<16xi32>)
        %get3A_228 = arith.constant 208 : index
        %get3A_229 = tpu.vector_load %arg4[%get3A_228] {strides = array<i32>} : memref<608xf32, #tpu.memory_space<vmem>>, vector<16xf32>,
        %add3A_230 = arith.constant 208 : i32
        %add3A_231 = vector.broadcast %add3A_230 : i32 to vector<16xi32>
        %add3A_232 = arith.addi %iota3A, %add3A_231 : vector<16xi32>
        %masked_sort3A_233 = arith.constant dense<true> : vector<16xi1>
        %masked_sort3A_234, %masked_sort3A_235, %masked_sort3A_236 = tpu.sort %get3A_229, %add3A_232 masked %masked_sort3A_233 {descending = true} : (vector<16xf32>, vector<16xi32>, vector<16xi1>) -> (vector<16xi1>, vector<16xf32>, vector<16xi32>)
        %ge3A_237 = arith.cmpf oge, %masked_sort3A_226, %masked_sort3A_235 : vector<16xf32>
        %max3A_238 = arith.maximumf %masked_sort3A_226, %masked_sort3A_235 : vector<16xf32>
        %select_n3A_239 = arith.select %ge3A_237, %masked_sort3A_227, %masked_sort3A_236 : vector<16xi1>, vector<16xi32>
        %masked_sort3A_240 = arith.constant dense<true> : vector<16xi1>
        %masked_sort3A_241, %masked_sort3A_242, %masked_sort3A_243 = tpu.sort %max3A_238, %select_n3A_239 masked %masked_sort3A_240 : (vector<16xf32>, vector<16xi32>, vector<16xi1>) -> (vector<16xi1>, vector<16xf32>, vector<16xi32>)
        %get3A_244 = arith.constant 224 : index
        %get3A_245 = tpu.vector_load %arg4[%get3A_244] {strides = array<i32>} : memref<608xf32, #tpu.memory_space<vmem>>, vector<16xf32>,
        %add3A_246 = arith.constant 224 : i32
        %add3A_247 = vector.broadcast %add3A_246 : i32 to vector<16xi32>
        %add3A_248 = arith.addi %iota3A, %add3A_247 : vector<16xi32>
        %masked_sort3A_249 = arith.constant dense<true> : vector<16xi1>
        %masked_sort3A_250, %masked_sort3A_251, %masked_sort3A_252 = tpu.sort %get3A_245, %add3A_248 masked %masked_sort3A_249 {descending = true} : (vector<16xf32>, vector<16xi32>, vector<16xi1>) -> (vector<16xi1>, vector<16xf32>, vector<16xi32>)
        %ge3A_253 = arith.cmpf oge, %masked_sort3A_242, %masked_sort3A_251 : vector<16xf32>
        %max3A_254 = arith.maximumf %masked_sort3A_242, %masked_sort3A_251 : vector<16xf32>
        %select_n3A_255 = arith.select %ge3A_253, %masked_sort3A_243, %masked_sort3A_252 : vector<16xi1>, vector<16xi32>
        %masked_sort3A_256 = arith.constant dense<true> : vector<16xi1>
        %masked_sort3A_257, %masked_sort3A_258, %masked_sort3A_259 = tpu.sort %max3A_254, %select_n3A_255 masked %masked_sort3A_256 : (vector<16xf32>, vector<16xi32>, vector<16xi1>) -> (vector<16xi1>, vector<16xf32>, vector<16xi32>)
        %get3A_260 = arith.constant 240 : index
        %get3A_261 = tpu.vector_load %arg4[%get3A_260] {strides = array<i32>} : memref<608xf32, #tpu.memory_space<vmem>>, vector<16xf32>,
        %add3A_262 = arith.constant 240 : i32
        %add3A_263 = vector.broadcast %add3A_262 : i32 to vector<16xi32>
        %add3A_264 = arith.addi %iota3A, %add3A_263 : vector<16xi32>
        %masked_sort3A_265 = arith.constant dense<true> : vector<16xi1>
        %masked_sort3A_266, %masked_sort3A_267, %masked_sort3A_268 = tpu.sort %get3A_261, %add3A_264 masked %masked_sort3A_265 {descending = true} : (vector<16xf32>, vector<16xi32>, vector<16xi1>) -> (vector<16xi1>, vector<16xf32>, vector<16xi32>)
        %ge3A_269 = arith.cmpf oge, %masked_sort3A_258, %masked_sort3A_267 : vector<16xf32>
        %max3A_270 = arith.maximumf %masked_sort3A_258, %masked_sort3A_267 : vector<16xf32>
        %select_n3A_271 = arith.select %ge3A_269, %masked_sort3A_259, %masked_sort3A_268 : vector<16xi1>, vector<16xi32>
        %masked_sort3A_272 = arith.constant dense<true> : vector<16xi1>
        %masked_sort3A_273, %masked_sort3A_274, %masked_sort3A_275 = tpu.sort %max3A_270, %select_n3A_271 masked %masked_sort3A_272 : (vector<16xf32>, vector<16xi32>, vector<16xi1>) -> (vector<16xi1>, vector<16xf32>, vector<16xi32>)
        %get3A_276 = arith.constant 256 : index
        %get3A_277 = tpu.vector_load %arg4[%get3A_276] {strides = array<i32>} : memref<608xf32, #tpu.memory_space<vmem>>, vector<16xf32>,
        %add3A_278 = arith.constant 256 : i32
        %add3A_279 = vector.broadcast %add3A_278 : i32 to vector<16xi32>
        %add3A_280 = arith.addi %iota3A, %add3A_279 : vector<16xi32>
        %masked_sort3A_281 = arith.constant dense<true> : vector<16xi1>
        %masked_sort3A_282, %masked_sort3A_283, %masked_sort3A_284 = tpu.sort %get3A_277, %add3A_280 masked %masked_sort3A_281 {descending = true} : (vector<16xf32>, vector<16xi32>, vector<16xi1>) -> (vector<16xi1>, vector<16xf32>, vector<16xi32>)
        %ge3A_285 = arith.cmpf oge, %masked_sort3A_274, %masked_sort3A_283 : vector<16xf32>
        %max3A_286 = arith.maximumf %masked_sort3A_274, %masked_sort3A_283 : vector<16xf32>
        %select_n3A_287 = arith.select %ge3A_285, %masked_sort3A_275, %masked_sort3A_284 : vector<16xi1>, vector<16xi32>
        %masked_sort3A_288 = arith.constant dense<true> : vector<16xi1>
        %masked_sort3A_289, %masked_sort3A_290, %masked_sort3A_291 = tpu.sort %max3A_286, %select_n3A_287 masked %masked_sort3A_288 : (vector<16xf32>, vector<16xi32>, vector<16xi1>) -> (vector<16xi1>, vector<16xf32>, vector<16xi32>)
        %get3A_292 = arith.constant 272 : index
        %get3A_293 = tpu.vector_load %arg4[%get3A_292] {strides = array<i32>} : memref<608xf32, #tpu.memory_space<vmem>>, vector<16xf32>,
        %add3A_294 = arith.constant 272 : i32
        %add3A_295 = vector.broadcast %add3A_294 : i32 to vector<16xi32>
        %add3A_296 = arith.addi %iota3A, %add3A_295 : vector<16xi32>
        %masked_sort3A_297 = arith.constant dense<true> : vector<16xi1>
        %masked_sort3A_298, %masked_sort3A_299, %masked_sort3A_300 = tpu.sort %get3A_293, %add3A_296 masked %masked_sort3A_297 {descending = true} : (vector<16xf32>, vector<16xi32>, vector<16xi1>) -> (vector<16xi1>, vector<16xf32>, vector<16xi32>)
        %ge3A_301 = arith.cmpf oge, %masked_sort3A_290, %masked_sort3A_299 : vector<16xf32>
        %max3A_302 = arith.maximumf %masked_sort3A_290, %masked_sort3A_299 : vector<16xf32>
        %select_n3A_303 = arith.select %ge3A_301, %masked_sort3A_291, %masked_sort3A_300 : vector<16xi1>, vector<16xi32>
        %masked_sort3A_304 = arith.constant dense<true> : vector<16xi1>
        %masked_sort3A_305, %masked_sort3A_306, %masked_sort3A_307 = tpu.sort %max3A_302, %select_n3A_303 masked %masked_sort3A_304 : (vector<16xf32>, vector<16xi32>, vector<16xi1>) -> (vector<16xi1>, vector<16xf32>, vector<16xi32>)
        %get3A_308 = arith.constant 288 : index
        %get3A_309 = tpu.vector_load %arg4[%get3A_308] {strides = array<i32>} : memref<608xf32, #tpu.memory_space<vmem>>, vector<16xf32>,
        %add3A_310 = arith.constant 288 : i32
        %add3A_311 = vector.broadcast %add3A_310 : i32 to vector<16xi32>
        %add3A_312 = arith.addi %iota3A, %add3A_311 : vector<16xi32>
        %masked_sort3A_313 = arith.constant dense<true> : vector<16xi1>
        %masked_sort3A_314, %masked_sort3A_315, %masked_sort3A_316 = tpu.sort %get3A_309, %add3A_312 masked %masked_sort3A_313 {descending = true} : (vector<16xf32>, vector<16xi32>, vector<16xi1>) -> (vector<16xi1>, vector<16xf32>, vector<16xi32>)
        %ge3A_317 = arith.cmpf oge, %masked_sort3A_306, %masked_sort3A_315 : vector<16xf32>
        %max3A_318 = arith.maximumf %masked_sort3A_306, %masked_sort3A_315 : vector<16xf32>
        %select_n3A_319 = arith.select %ge3A_317, %masked_sort3A_307, %masked_sort3A_316 : vector<16xi1>, vector<16xi32>
        %masked_sort3A_320 = arith.constant dense<true> : vector<16xi1>
        %masked_sort3A_321, %masked_sort3A_322, %masked_sort3A_323 = tpu.sort %max3A_318, %select_n3A_319 masked %masked_sort3A_320 : (vector<16xf32>, vector<16xi32>, vector<16xi1>) -> (vector<16xi1>, vector<16xf32>, vector<16xi32>)
        %get3A_324 = arith.constant 304 : index
        %get3A_325 = tpu.vector_load %arg4[%get3A_324] {strides = array<i32>} : memref<608xf32, #tpu.memory_space<vmem>>, vector<16xf32>,
        %add3A_326 = arith.constant 304 : i32
        %add3A_327 = vector.broadcast %add3A_326 : i32 to vector<16xi32>
        %add3A_328 = arith.addi %iota3A, %add3A_327 : vector<16xi32>
        %masked_sort3A_329 = arith.constant dense<true> : vector<16xi1>
        %masked_sort3A_330, %masked_sort3A_331, %masked_sort3A_332 = tpu.sort %get3A_325, %add3A_328 masked %masked_sort3A_329 {descending = true} : (vector<16xf32>, vector<16xi32>, vector<16xi1>) -> (vector<16xi1>, vector<16xf32>, vector<16xi32>)
        %ge3A_333 = arith.cmpf oge, %masked_sort3A_322, %masked_sort3A_331 : vector<16xf32>
        %max3A_334 = arith.maximumf %masked_sort3A_322, %masked_sort3A_331 : vector<16xf32>
        %select_n3A_335 = arith.select %ge3A_333, %masked_sort3A_323, %masked_sort3A_332 : vector<16xi1>, vector<16xi32>
        %masked_sort3A_336 = arith.constant dense<true> : vector<16xi1>
        %masked_sort3A_337, %masked_sort3A_338, %masked_sort3A_339 = tpu.sort %max3A_334, %select_n3A_335 masked %masked_sort3A_336 : (vector<16xf32>, vector<16xi32>, vector<16xi1>) -> (vector<16xi1>, vector<16xf32>, vector<16xi32>)
        %get3A_340 = arith.constant 320 : index
        %get3A_341 = tpu.vector_load %arg4[%get3A_340] {strides = array<i32>} : memref<608xf32, #tpu.memory_space<vmem>>, vector<16xf32>,
        %add3A_342 = arith.constant 320 : i32
        %add3A_343 = vector.broadcast %add3A_342 : i32 to vector<16xi32>
        %add3A_344 = arith.addi %iota3A, %add3A_343 : vector<16xi32>
        %masked_sort3A_345 = arith.constant dense<true> : vector<16xi1>
        %masked_sort3A_346, %masked_sort3A_347, %masked_sort3A_348 = tpu.sort %get3A_341, %add3A_344 masked %masked_sort3A_345 {descending = true} : (vector<16xf32>, vector<16xi32>, vector<16xi1>) -> (vector<16xi1>, vector<16xf32>, vector<16xi32>)
        %ge3A_349 = arith.cmpf oge, %masked_sort3A_338, %masked_sort3A_347 : vector<16xf32>
        %max3A_350 = arith.maximumf %masked_sort3A_338, %masked_sort3A_347 : vector<16xf32>
        %select_n3A_351 = arith.select %ge3A_349, %masked_sort3A_339, %masked_sort3A_348 : vector<16xi1>, vector<16xi32>
        %masked_sort3A_352 = arith.constant dense<true> : vector<16xi1>
        %masked_sort3A_353, %masked_sort3A_354, %masked_sort3A_355 = tpu.sort %max3A_350, %select_n3A_351 masked %masked_sort3A_352 : (vector<16xf32>, vector<16xi32>, vector<16xi1>) -> (vector<16xi1>, vector<16xf32>, vector<16xi32>)
        %get3A_356 = arith.constant 336 : index
        %get3A_357 = tpu.vector_load %arg4[%get3A_356] {strides = array<i32>} : memref<608xf32, #tpu.memory_space<vmem>>, vector<16xf32>,
        %add3A_358 = arith.constant 336 : i32
        %add3A_359 = vector.broadcast %add3A_358 : i32 to vector<16xi32>
        %add3A_360 = arith.addi %iota3A, %add3A_359 : vector<16xi32>
        %masked_sort3A_361 = arith.constant dense<true> : vector<16xi1>
        %masked_sort3A_362, %masked_sort3A_363, %masked_sort3A_364 = tpu.sort %get3A_357, %add3A_360 masked %masked_sort3A_361 {descending = true} : (vector<16xf32>, vector<16xi32>, vector<16xi1>) -> (vector<16xi1>, vector<16xf32>, vector<16xi32>)
        %ge3A_365 = arith.cmpf oge, %masked_sort3A_354, %masked_sort3A_363 : vector<16xf32>
        %max3A_366 = arith.maximumf %masked_sort3A_354, %masked_sort3A_363 : vector<16xf32>
        %select_n3A_367 = arith.select %ge3A_365, %masked_sort3A_355, %masked_sort3A_364 : vector<16xi1>, vector<16xi32>
        %masked_sort3A_368 = arith.constant dense<true> : vector<16xi1>
        %masked_sort3A_369, %masked_sort3A_370, %masked_sort3A_371 = tpu.sort %max3A_366, %select_n3A_367 masked %masked_sort3A_368 : (vector<16xf32>, vector<16xi32>, vector<16xi1>) -> (vector<16xi1>, vector<16xf32>, vector<16xi32>)
        %get3A_372 = arith.constant 352 : index
        %get3A_373 = tpu.vector_load %arg4[%get3A_372] {strides = array<i32>} : memref<608xf32, #tpu.memory_space<vmem>>, vector<16xf32>,
        %add3A_374 = arith.constant 352 : i32
        %add3A_375 = vector.broadcast %add3A_374 : i32 to vector<16xi32>
        %add3A_376 = arith.addi %iota3A, %add3A_375 : vector<16xi32>
        %masked_sort3A_377 = arith.constant dense<true> : vector<16xi1>
        %masked_sort3A_378, %masked_sort3A_379, %masked_sort3A_380 = tpu.sort %get3A_373, %add3A_376 masked %masked_sort3A_377 {descending = true} : (vector<16xf32>, vector<16xi32>, vector<16xi1>) -> (vector<16xi1>, vector<16xf32>, vector<16xi32>)
        %ge3A_381 = arith.cmpf oge, %masked_sort3A_370, %masked_sort3A_379 : vector<16xf32>
        %max3A_382 = arith.maximumf %masked_sort3A_370, %masked_sort3A_379 : vector<16xf32>
        %select_n3A_383 = arith.select %ge3A_381, %masked_sort3A_371, %masked_sort3A_380 : vector<16xi1>, vector<16xi32>
        %masked_sort3A_384 = arith.constant dense<true> : vector<16xi1>
        %masked_sort3A_385, %masked_sort3A_386, %masked_sort3A_387 = tpu.sort %max3A_382, %select_n3A_383 masked %masked_sort3A_384 : (vector<16xf32>, vector<16xi32>, vector<16xi1>) -> (vector<16xi1>, vector<16xf32>, vector<16xi32>)
        %get3A_388 = arith.constant 368 : index
        %get3A_389 = tpu.vector_load %arg4[%get3A_388] {strides = array<i32>} : memref<608xf32, #tpu.memory_space<vmem>>, vector<16xf32>,
        %add3A_390 = arith.constant 368 : i32
        %add3A_391 = vector.broadcast %add3A_390 : i32 to vector<16xi32>
        %add3A_392 = arith.addi %iota3A, %add3A_391 : vector<16xi32>
        %masked_sort3A_393 = arith.constant dense<true> : vector<16xi1>
        %masked_sort3A_394, %masked_sort3A_395, %masked_sort3A_396 = tpu.sort %get3A_389, %add3A_392 masked %masked_sort3A_393 {descending = true} : (vector<16xf32>, vector<16xi32>, vector<16xi1>) -> (vector<16xi1>, vector<16xf32>, vector<16xi32>)
        %ge3A_397 = arith.cmpf oge, %masked_sort3A_386, %masked_sort3A_395 : vector<16xf32>
        %max3A_398 = arith.maximumf %masked_sort3A_386, %masked_sort3A_395 : vector<16xf32>
        %select_n3A_399 = arith.select %ge3A_397, %masked_sort3A_387, %masked_sort3A_396 : vector<16xi1>, vector<16xi32>
        %masked_sort3A_400 = arith.constant dense<true> : vector<16xi1>
        %masked_sort3A_401, %masked_sort3A_402, %masked_sort3A_403 = tpu.sort %max3A_398, %select_n3A_399 masked %masked_sort3A_400 : (vector<16xf32>, vector<16xi32>, vector<16xi1>) -> (vector<16xi1>, vector<16xf32>, vector<16xi32>)
        %get3A_404 = arith.constant 384 : index
        %get3A_405 = tpu.vector_load %arg4[%get3A_404] {strides = array<i32>} : memref<608xf32, #tpu.memory_space<vmem>>, vector<16xf32>,
        %add3A_406 = arith.constant 384 : i32
        %add3A_407 = vector.broadcast %add3A_406 : i32 to vector<16xi32>
        %add3A_408 = arith.addi %iota3A, %add3A_407 : vector<16xi32>
        %masked_sort3A_409 = arith.constant dense<true> : vector<16xi1>
        %masked_sort3A_410, %masked_sort3A_411, %masked_sort3A_412 = tpu.sort %get3A_405, %add3A_408 masked %masked_sort3A_409 {descending = true} : (vector<16xf32>, vector<16xi32>, vector<16xi1>) -> (vector<16xi1>, vector<16xf32>, vector<16xi32>)
        %ge3A_413 = arith.cmpf oge, %masked_sort3A_402, %masked_sort3A_411 : vector<16xf32>
        %max3A_414 = arith.maximumf %masked_sort3A_402, %masked_sort3A_411 : vector<16xf32>
        %select_n3A_415 = arith.select %ge3A_413, %masked_sort3A_403, %masked_sort3A_412 : vector<16xi1>, vector<16xi32>
        %masked_sort3A_416 = arith.constant dense<true> : vector<16xi1>
        %masked_sort3A_417, %masked_sort3A_418, %masked_sort3A_419 = tpu.sort %max3A_414, %select_n3A_415 masked %masked_sort3A_416 : (vector<16xf32>, vector<16xi32>, vector<16xi1>) -> (vector<16xi1>, vector<16xf32>, vector<16xi32>)
        %get3A_420 = arith.constant 400 : index
        %get3A_421 = tpu.vector_load %arg4[%get3A_420] {strides = array<i32>} : memref<608xf32, #tpu.memory_space<vmem>>, vector<16xf32>,
        %add3A_422 = arith.constant 400 : i32
        %add3A_423 = vector.broadcast %add3A_422 : i32 to vector<16xi32>
        %add3A_424 = arith.addi %iota3A, %add3A_423 : vector<16xi32>
        %masked_sort3A_425 = arith.constant dense<true> : vector<16xi1>
        %masked_sort3A_426, %masked_sort3A_427, %masked_sort3A_428 = tpu.sort %get3A_421, %add3A_424 masked %masked_sort3A_425 {descending = true} : (vector<16xf32>, vector<16xi32>, vector<16xi1>) -> (vector<16xi1>, vector<16xf32>, vector<16xi32>)
        %ge3A_429 = arith.cmpf oge, %masked_sort3A_418, %masked_sort3A_427 : vector<16xf32>
        %max3A_430 = arith.maximumf %masked_sort3A_418, %masked_sort3A_427 : vector<16xf32>
        %select_n3A_431 = arith.select %ge3A_429, %masked_sort3A_419, %masked_sort3A_428 : vector<16xi1>, vector<16xi32>
        %masked_sort3A_432 = arith.constant dense<true> : vector<16xi1>
        %masked_sort3A_433, %masked_sort3A_434, %masked_sort3A_435 = tpu.sort %max3A_430, %select_n3A_431 masked %masked_sort3A_432 : (vector<16xf32>, vector<16xi32>, vector<16xi1>) -> (vector<16xi1>, vector<16xf32>, vector<16xi32>)
        %get3A_436 = arith.constant 416 : index
        %get3A_437 = tpu.vector_load %arg4[%get3A_436] {strides = array<i32>} : memref<608xf32, #tpu.memory_space<vmem>>, vector<16xf32>,
        %add3A_438 = arith.constant 416 : i32
        %add3A_439 = vector.broadcast %add3A_438 : i32 to vector<16xi32>
        %add3A_440 = arith.addi %iota3A, %add3A_439 : vector<16xi32>
        %masked_sort3A_441 = arith.constant dense<true> : vector<16xi1>
        %masked_sort3A_442, %masked_sort3A_443, %masked_sort3A_444 = tpu.sort %get3A_437, %add3A_440 masked %masked_sort3A_441 {descending = true} : (vector<16xf32>, vector<16xi32>, vector<16xi1>) -> (vector<16xi1>, vector<16xf32>, vector<16xi32>)
        %ge3A_445 = arith.cmpf oge, %masked_sort3A_434, %masked_sort3A_443 : vector<16xf32>
        %max3A_446 = arith.maximumf %masked_sort3A_434, %masked_sort3A_443 : vector<16xf32>
        %select_n3A_447 = arith.select %ge3A_445, %masked_sort3A_435, %masked_sort3A_444 : vector<16xi1>, vector<16xi32>
        %masked_sort3A_448 = arith.constant dense<true> : vector<16xi1>
        %masked_sort3A_449, %masked_sort3A_450, %masked_sort3A_451 = tpu.sort %max3A_446, %select_n3A_447 masked %masked_sort3A_448 : (vector<16xf32>, vector<16xi32>, vector<16xi1>) -> (vector<16xi1>, vector<16xf32>, vector<16xi32>)
        %get3A_452 = arith.constant 432 : index
        %get3A_453 = tpu.vector_load %arg4[%get3A_452] {strides = array<i32>} : memref<608xf32, #tpu.memory_space<vmem>>, vector<16xf32>,
        %add3A_454 = arith.constant 432 : i32
        %add3A_455 = vector.broadcast %add3A_454 : i32 to vector<16xi32>
        %add3A_456 = arith.addi %iota3A, %add3A_455 : vector<16xi32>
        %masked_sort3A_457 = arith.constant dense<true> : vector<16xi1>
        %masked_sort3A_458, %masked_sort3A_459, %masked_sort3A_460 = tpu.sort %get3A_453, %add3A_456 masked %masked_sort3A_457 {descending = true} : (vector<16xf32>, vector<16xi32>, vector<16xi1>) -> (vector<16xi1>, vector<16xf32>, vector<16xi32>)
        %ge3A_461 = arith.cmpf oge, %masked_sort3A_450, %masked_sort3A_459 : vector<16xf32>
        %max3A_462 = arith.maximumf %masked_sort3A_450, %masked_sort3A_459 : vector<16xf32>
        %select_n3A_463 = arith.select %ge3A_461, %masked_sort3A_451, %masked_sort3A_460 : vector<16xi1>, vector<16xi32>
        %masked_sort3A_464 = arith.constant dense<true> : vector<16xi1>
        %masked_sort3A_465, %masked_sort3A_466, %masked_sort3A_467 = tpu.sort %max3A_462, %select_n3A_463 masked %masked_sort3A_464 : (vector<16xf32>, vector<16xi32>, vector<16xi1>) -> (vector<16xi1>, vector<16xf32>, vector<16xi32>)
        %get3A_468 = arith.constant 448 : index
        %get3A_469 = tpu.vector_load %arg4[%get3A_468] {strides = array<i32>} : memref<608xf32, #tpu.memory_space<vmem>>, vector<16xf32>,
        %add3A_470 = arith.constant 448 : i32
        %add3A_471 = vector.broadcast %add3A_470 : i32 to vector<16xi32>
        %add3A_472 = arith.addi %iota3A, %add3A_471 : vector<16xi32>
        %masked_sort3A_473 = arith.constant dense<true> : vector<16xi1>
        %masked_sort3A_474, %masked_sort3A_475, %masked_sort3A_476 = tpu.sort %get3A_469, %add3A_472 masked %masked_sort3A_473 {descending = true} : (vector<16xf32>, vector<16xi32>, vector<16xi1>) -> (vector<16xi1>, vector<16xf32>, vector<16xi32>)
        %ge3A_477 = arith.cmpf oge, %masked_sort3A_466, %masked_sort3A_475 : vector<16xf32>
        %max3A_478 = arith.maximumf %masked_sort3A_466, %masked_sort3A_475 : vector<16xf32>
        %select_n3A_479 = arith.select %ge3A_477, %masked_sort3A_467, %masked_sort3A_476 : vector<16xi1>, vector<16xi32>
        %masked_sort3A_480 = arith.constant dense<true> : vector<16xi1>
        %masked_sort3A_481, %masked_sort3A_482, %masked_sort3A_483 = tpu.sort %max3A_478, %select_n3A_479 masked %masked_sort3A_480 : (vector<16xf32>, vector<16xi32>, vector<16xi1>) -> (vector<16xi1>, vector<16xf32>, vector<16xi32>)
        %get3A_484 = arith.constant 464 : index
        %get3A_485 = tpu.vector_load %arg4[%get3A_484] {strides = array<i32>} : memref<608xf32, #tpu.memory_space<vmem>>, vector<16xf32>,
        %add3A_486 = arith.constant 464 : i32
        %add3A_487 = vector.broadcast %add3A_486 : i32 to vector<16xi32>
        %add3A_488 = arith.addi %iota3A, %add3A_487 : vector<16xi32>
        %masked_sort3A_489 = arith.constant dense<true> : vector<16xi1>
        %masked_sort3A_490, %masked_sort3A_491, %masked_sort3A_492 = tpu.sort %get3A_485, %add3A_488 masked %masked_sort3A_489 {descending = true} : (vector<16xf32>, vector<16xi32>, vector<16xi1>) -> (vector<16xi1>, vector<16xf32>, vector<16xi32>)
        %ge3A_493 = arith.cmpf oge, %masked_sort3A_482, %masked_sort3A_491 : vector<16xf32>
        %max3A_494 = arith.maximumf %masked_sort3A_482, %masked_sort3A_491 : vector<16xf32>
        %select_n3A_495 = arith.select %ge3A_493, %masked_sort3A_483, %masked_sort3A_492 : vector<16xi1>, vector<16xi32>
        %masked_sort3A_496 = arith.constant dense<true> : vector<16xi1>
        %masked_sort3A_497, %masked_sort3A_498, %masked_sort3A_499 = tpu.sort %max3A_494, %select_n3A_495 masked %masked_sort3A_496 : (vector<16xf32>, vector<16xi32>, vector<16xi1>) -> (vector<16xi1>, vector<16xf32>, vector<16xi32>)
        %get3A_500 = arith.constant 480 : index
        %get3A_501 = tpu.vector_load %arg4[%get3A_500] {strides = array<i32>} : memref<608xf32, #tpu.memory_space<vmem>>, vector<16xf32>,
        %add3A_502 = arith.constant 480 : i32
        %add3A_503 = vector.broadcast %add3A_502 : i32 to vector<16xi32>
        %add3A_504 = arith.addi %iota3A, %add3A_503 : vector<16xi32>
        %masked_sort3A_505 = arith.constant dense<true> : vector<16xi1>
        %masked_sort3A_506, %masked_sort3A_507, %masked_sort3A_508 = tpu.sort %get3A_501, %add3A_504 masked %masked_sort3A_505 {descending = true} : (vector<16xf32>, vector<16xi32>, vector<16xi1>) -> (vector<16xi1>, vector<16xf32>, vector<16xi32>)
        %ge3A_509 = arith.cmpf oge, %masked_sort3A_498, %masked_sort3A_507 : vector<16xf32>
        %max3A_510 = arith.maximumf %masked_sort3A_498, %masked_sort3A_507 : vector<16xf32>
        %select_n3A_511 = arith.select %ge3A_509, %masked_sort3A_499, %masked_sort3A_508 : vector<16xi1>, vector<16xi32>
        %masked_sort3A_512 = arith.constant dense<true> : vector<16xi1>
        %masked_sort3A_513, %masked_sort3A_514, %masked_sort3A_515 = tpu.sort %max3A_510, %select_n3A_511 masked %masked_sort3A_512 : (vector<16xf32>, vector<16xi32>, vector<16xi1>) -> (vector<16xi1>, vector<16xf32>, vector<16xi32>)
        %get3A_516 = arith.constant 496 : index
        %get3A_517 = tpu.vector_load %arg4[%get3A_516] {strides = array<i32>} : memref<608xf32, #tpu.memory_space<vmem>>, vector<16xf32>,
        %add3A_518 = arith.constant 496 : i32
        %add3A_519 = vector.broadcast %add3A_518 : i32 to vector<16xi32>
        %add3A_520 = arith.addi %iota3A, %add3A_519 : vector<16xi32>
        %masked_sort3A_521 = arith.constant dense<true> : vector<16xi1>
        %masked_sort3A_522, %masked_sort3A_523, %masked_sort3A_524 = tpu.sort %get3A_517, %add3A_520 masked %masked_sort3A_521 {descending = true} : (vector<16xf32>, vector<16xi32>, vector<16xi1>) -> (vector<16xi1>, vector<16xf32>, vector<16xi32>)
        %ge3A_525 = arith.cmpf oge, %masked_sort3A_514, %masked_sort3A_523 : vector<16xf32>
        %max3A_526 = arith.maximumf %masked_sort3A_514, %masked_sort3A_523 : vector<16xf32>
        %select_n3A_527 = arith.select %ge3A_525, %masked_sort3A_515, %masked_sort3A_524 : vector<16xi1>, vector<16xi32>
        %masked_sort3A_528 = arith.constant dense<true> : vector<16xi1>
        %masked_sort3A_529, %masked_sort3A_530, %masked_sort3A_531 = tpu.sort %max3A_526, %select_n3A_527 masked %masked_sort3A_528 : (vector<16xf32>, vector<16xi32>, vector<16xi1>) -> (vector<16xi1>, vector<16xf32>, vector<16xi32>)
        %get3A_532 = arith.constant 512 : index
        %get3A_533 = tpu.vector_load %arg4[%get3A_532] {strides = array<i32>} : memref<608xf32, #tpu.memory_space<vmem>>, vector<16xf32>,
        %add3A_534 = arith.constant 512 : i32
        %add3A_535 = vector.broadcast %add3A_534 : i32 to vector<16xi32>
        %add3A_536 = arith.addi %iota3A, %add3A_535 : vector<16xi32>
        %masked_sort3A_537 = arith.constant dense<true> : vector<16xi1>
        %masked_sort3A_538, %masked_sort3A_539, %masked_sort3A_540 = tpu.sort %get3A_533, %add3A_536 masked %masked_sort3A_537 {descending = true} : (vector<16xf32>, vector<16xi32>, vector<16xi1>) -> (vector<16xi1>, vector<16xf32>, vector<16xi32>)
        %ge3A_541 = arith.cmpf oge, %masked_sort3A_530, %masked_sort3A_539 : vector<16xf32>
        %max3A_542 = arith.maximumf %masked_sort3A_530, %masked_sort3A_539 : vector<16xf32>
        %select_n3A_543 = arith.select %ge3A_541, %masked_sort3A_531, %masked_sort3A_540 : vector<16xi1>, vector<16xi32>
        %masked_sort3A_544 = arith.constant dense<true> : vector<16xi1>
        %masked_sort3A_545, %masked_sort3A_546, %masked_sort3A_547 = tpu.sort %max3A_542, %select_n3A_543 masked %masked_sort3A_544 : (vector<16xf32>, vector<16xi32>, vector<16xi1>) -> (vector<16xi1>, vector<16xf32>, vector<16xi32>)
        %get3A_548 = arith.constant 528 : index
        %get3A_549 = tpu.vector_load %arg4[%get3A_548] {strides = array<i32>} : memref<608xf32, #tpu.memory_space<vmem>>, vector<16xf32>,
        %add3A_550 = arith.constant 528 : i32
        %add3A_551 = vector.broadcast %add3A_550 : i32 to vector<16xi32>
        %add3A_552 = arith.addi %iota3A, %add3A_551 : vector<16xi32>
        %masked_sort3A_553 = arith.constant dense<true> : vector<16xi1>
        %masked_sort3A_554, %masked_sort3A_555, %masked_sort3A_556 = tpu.sort %get3A_549, %add3A_552 masked %masked_sort3A_553 {descending = true} : (vector<16xf32>, vector<16xi32>, vector<16xi1>) -> (vector<16xi1>, vector<16xf32>, vector<16xi32>)
        %ge3A_557 = arith.cmpf oge, %masked_sort3A_546, %masked_sort3A_555 : vector<16xf32>
        %max3A_558 = arith.maximumf %masked_sort3A_546, %masked_sort3A_555 : vector<16xf32>
        %select_n3A_559 = arith.select %ge3A_557, %masked_sort3A_547, %masked_sort3A_556 : vector<16xi1>, vector<16xi32>
        %masked_sort3A_560 = arith.constant dense<true> : vector<16xi1>
        %masked_sort3A_561, %masked_sort3A_562, %masked_sort3A_563 = tpu.sort %max3A_558, %select_n3A_559 masked %masked_sort3A_560 : (vector<16xf32>, vector<16xi32>, vector<16xi1>) -> (vector<16xi1>, vector<16xf32>, vector<16xi32>)
        %get3A_564 = arith.constant 544 : index
        %get3A_565 = tpu.vector_load %arg4[%get3A_564] {strides = array<i32>} : memref<608xf32, #tpu.memory_space<vmem>>, vector<16xf32>,
        %add3A_566 = arith.constant 544 : i32
        %add3A_567 = vector.broadcast %add3A_566 : i32 to vector<16xi32>
        %add3A_568 = arith.addi %iota3A, %add3A_567 : vector<16xi32>
        %masked_sort3A_569 = arith.constant dense<true> : vector<16xi1>
        %masked_sort3A_570, %masked_sort3A_571, %masked_sort3A_572 = tpu.sort %get3A_565, %add3A_568 masked %masked_sort3A_569 {descending = true} : (vector<16xf32>, vector<16xi32>, vector<16xi1>) -> (vector<16xi1>, vector<16xf32>, vector<16xi32>)
        %ge3A_573 = arith.cmpf oge, %masked_sort3A_562, %masked_sort3A_571 : vector<16xf32>
        %max3A_574 = arith.maximumf %masked_sort3A_562, %masked_sort3A_571 : vector<16xf32>
        %select_n3A_575 = arith.select %ge3A_573, %masked_sort3A_563, %masked_sort3A_572 : vector<16xi1>, vector<16xi32>
        %masked_sort3A_576 = arith.constant dense<true> : vector<16xi1>
        %masked_sort3A_577, %masked_sort3A_578, %masked_sort3A_579 = tpu.sort %max3A_574, %select_n3A_575 masked %masked_sort3A_576 : (vector<16xf32>, vector<16xi32>, vector<16xi1>) -> (vector<16xi1>, vector<16xf32>, vector<16xi32>)
        %get3A_580 = arith.constant 560 : index
        %get3A_581 = tpu.vector_load %arg4[%get3A_580] {strides = array<i32>} : memref<608xf32, #tpu.memory_space<vmem>>, vector<16xf32>,
        %add3A_582 = arith.constant 560 : i32
        %add3A_583 = vector.broadcast %add3A_582 : i32 to vector<16xi32>
        %add3A_584 = arith.addi %iota3A, %add3A_583 : vector<16xi32>
        %masked_sort3A_585 = arith.constant dense<true> : vector<16xi1>
        %masked_sort3A_586, %masked_sort3A_587, %masked_sort3A_588 = tpu.sort %get3A_581, %add3A_584 masked %masked_sort3A_585 {descending = true} : (vector<16xf32>, vector<16xi32>, vector<16xi1>) -> (vector<16xi1>, vector<16xf32>, vector<16xi32>)
        %ge3A_589 = arith.cmpf oge, %masked_sort3A_578, %masked_sort3A_587 : vector<16xf32>
        %max3A_590 = arith.maximumf %masked_sort3A_578, %masked_sort3A_587 : vector<16xf32>
        %select_n3A_591 = arith.select %ge3A_589, %masked_sort3A_579, %masked_sort3A_588 : vector<16xi1>, vector<16xi32>
        %masked_sort3A_592 = arith.constant dense<true> : vector<16xi1>
        %masked_sort3A_593, %masked_sort3A_594, %masked_sort3A_595 = tpu.sort %max3A_590, %select_n3A_591 masked %masked_sort3A_592 : (vector<16xf32>, vector<16xi32>, vector<16xi1>) -> (vector<16xi1>, vector<16xf32>, vector<16xi32>)
        %get3A_596 = arith.constant 576 : index
        %get3A_597 = tpu.vector_load %arg4[%get3A_596] {strides = array<i32>} : memref<608xf32, #tpu.memory_space<vmem>>, vector<16xf32>,
        %add3A_598 = arith.constant 576 : i32
        %add3A_599 = vector.broadcast %add3A_598 : i32 to vector<16xi32>
        %add3A_600 = arith.addi %iota3A, %add3A_599 : vector<16xi32>
        %masked_sort3A_601 = arith.constant dense<true> : vector<16xi1>
        %masked_sort3A_602, %masked_sort3A_603, %masked_sort3A_604 = tpu.sort %get3A_597, %add3A_600 masked %masked_sort3A_601 {descending = true} : (vector<16xf32>, vector<16xi32>, vector<16xi1>) -> (vector<16xi1>, vector<16xf32>, vector<16xi32>)
        %ge3A_605 = arith.cmpf oge, %masked_sort3A_594, %masked_sort3A_603 : vector<16xf32>
        %max3A_606 = arith.maximumf %masked_sort3A_594, %masked_sort3A_603 : vector<16xf32>
        %select_n3A_607 = arith.select %ge3A_605, %masked_sort3A_595, %masked_sort3A_604 : vector<16xi1>, vector<16xi32>
        %masked_sort3A_608 = arith.constant dense<true> : vector<16xi1>
        %masked_sort3A_609, %masked_sort3A_610, %masked_sort3A_611 = tpu.sort %max3A_606, %select_n3A_607 masked %masked_sort3A_608 : (vector<16xf32>, vector<16xi32>, vector<16xi1>) -> (vector<16xi1>, vector<16xf32>, vector<16xi32>)
        %get3A_612 = arith.constant 592 : index
        %get3A_613 = tpu.vector_load %arg4[%get3A_612] {strides = array<i32>} : memref<608xf32, #tpu.memory_space<vmem>>, vector<16xf32>,
        %add3A_614 = arith.constant 592 : i32
        %add3A_615 = vector.broadcast %add3A_614 : i32 to vector<16xi32>
        %add3A_616 = arith.addi %iota3A, %add3A_615 : vector<16xi32>
        %masked_sort3A_617 = arith.constant dense<true> : vector<16xi1>
        %masked_sort3A_618, %masked_sort3A_619, %masked_sort3A_620 = tpu.sort %get3A_613, %add3A_616 masked %masked_sort3A_617 {descending = true} : (vector<16xf32>, vector<16xi32>, vector<16xi1>) -> (vector<16xi1>, vector<16xf32>, vector<16xi32>)
        %ge3A_621 = arith.cmpf oge, %masked_sort3A_610, %masked_sort3A_619 : vector<16xf32>
        %max3A_622 = arith.maximumf %masked_sort3A_610, %masked_sort3A_619 : vector<16xf32>
        %select_n3A_623 = arith.select %ge3A_621, %masked_sort3A_611, %masked_sort3A_620 : vector<16xi1>, vector<16xi32>
        %masked_sort3A_624 = arith.constant dense<true> : vector<16xi1>
        %masked_sort3A_625, %masked_sort3A_626, %masked_sort3A_627 = tpu.sort %max3A_622, %select_n3A_623 masked %masked_sort3A_624 : (vector<16xf32>, vector<16xi32>, vector<16xi1>) -> (vector<16xi1>, vector<16xf32>, vector<16xi32>)
        %swap3A = arith.index_cast %mul3A_19 : i32 to index
        %swap3A_628 = arith.constant 0 : index
        %swap3A_629 = tpu.vector_load %arg6[%swap3A, %swap3A_628] {strides = array<i32>} : memref<19x16xi32, #tpu.memory_space<vmem>>, vector<16xi32>,
        tpu.vector_store %arg6[%swap3A, %swap3A_628], %masked_sort3A_627 {strides = array<i32>} : memref<19x16xi32, #tpu.memory_space<vmem>>, vector<16xi32>,
        %add3A_630 = arith.constant 2 : i32
        %add3A_631 = arith.addi %mul3A_19, %add3A_630 : i32
        %lt3A_632 = arith.cmpi slt, %add3A_631, %min3A_4 : i32
        %convert_element_type3A_633 = arith.extui %lt3A_632 : i1 to i32
        %cond3A_634 = arith.constant 0 : i32
        %cond3A_635 = arith.cmpi ne, %convert_element_type3A_633, %cond3A_634 : i32
        scf.if %cond3A_635 {
          %add3A_636 = arith.addi %mul3A_2, %mul3A_19 : i32
          %add3A_637 = arith.constant 2 : i32
          %add3A_638 = arith.addi %add3A_636, %add3A_637 : i32
          %dma_start3A = arith.constant 0 : i32
          %dma_start3A_639 = tpu.memref_slice %arg2[%add3A_638, %dma_start3A] : memref<600x608xf32, #tpu.memory_space<hbm>> -> memref<1x608xf32, #tpu.memory_space<hbm>>
          %dma_start3A_640 = tpu.memref_squeeze %dma_start3A_639 : memref<1x608xf32, #tpu.memory_space<hbm>> -> memref<608xf32, #tpu.memory_space<hbm>>
          %dma_start3A_641 = arith.constant 0 : i32
          %dma_start3A_642 = tpu.memref_slice %arg2[%add3A_638, %dma_start3A_641] : memref<600x608xf32, #tpu.memory_space<hbm>> -> memref<1x608xf32, #tpu.memory_space<hbm>>
          %dma_start3A_643 = tpu.memref_squeeze %dma_start3A_642 : memref<1x608xf32, #tpu.memory_space<hbm>> -> memref<608xf32, #tpu.memory_space<hbm>>
          tpu.enqueue_dma source(%dma_start3A_643 : memref<608xf32, #tpu.memory_space<hbm>>) target(%arg4 : memref<608xf32, #tpu.memory_space<vmem>>) target_semaphore(%arg7 : memref<!tpu.dma_semaphore, #tpu.memory_space<semaphore_mem>>)
        } else {
        }
      } else {
      }
      %lt3A_25 = arith.cmpi slt, %add3A_21, %min3A_4 : i32
      %convert_element_type3A_26 = arith.extui %lt3A_25 : i1 to i32
      %cond3A_27 = arith.constant 0 : i32
      %cond3A_28 = arith.cmpi ne, %convert_element_type3A_26, %cond3A_27 : i32
      scf.if %cond3A_28 {
        %add3A_29 = arith.addi %mul3A_2, %add3A_21 : i32
        %dma_wait3A = arith.constant 0 : i32
        %dma_wait3A_30 = tpu.memref_slice %arg2[%add3A_29, %dma_wait3A] : memref<600x608xf32, #tpu.memory_space<hbm>> -> memref<1x608xf32, #tpu.memory_space<hbm>>
        %dma_wait3A_31 = tpu.memref_squeeze %dma_wait3A_30 : memref<1x608xf32, #tpu.memory_space<hbm>> -> memref<608xf32, #tpu.memory_space<hbm>>
        %dma_wait3A_32 = arith.constant 0 : i32
        %dma_wait3A_33 = tpu.memref_slice %arg2[%add3A_29, %dma_wait3A_32] : memref<600x608xf32, #tpu.memory_space<hbm>> -> memref<1x608xf32, #tpu.memory_space<hbm>>
        %dma_wait3A_34 = tpu.memref_squeeze %dma_wait3A_33 : memref<1x608xf32, #tpu.memory_space<hbm>> -> memref<608xf32, #tpu.memory_space<hbm>>
        tpu.wait_dma2 semaphore(%arg8 : memref<!tpu.dma_semaphore, #tpu.memory_space<semaphore_mem>>) src(%dma_wait3A_34 : memref<608xf32, #tpu.memory_space<hbm>>) dst(%arg5 : memref<608xf32, #tpu.memory_space<vmem>>)
        %get3A = arith.constant 0 : index
        %get3A_35 = tpu.vector_load %arg5[%get3A] {strides = array<i32>} : memref<608xf32, #tpu.memory_space<vmem>>, vector<16xf32>,
        %masked_sort3A = arith.constant dense<true> : vector<16xi1>
        %masked_sort3A_36, %masked_sort3A_37, %masked_sort3A_38 = tpu.sort %get3A_35, %iota3A masked %masked_sort3A : (vector<16xf32>, vector<16xi32>, vector<16xi1>) -> (vector<16xi1>, vector<16xf32>, vector<16xi32>)
        %get3A_39 = arith.constant 16 : index
        %get3A_40 = tpu.vector_load %arg5[%get3A_39] {strides = array<i32>} : memref<608xf32, #tpu.memory_space<vmem>>, vector<16xf32>,
        %add3A_41 = arith.constant 16 : i32
        %add3A_42 = vector.broadcast %add3A_41 : i32 to vector<16xi32>
        %add3A_43 = arith.addi %iota3A, %add3A_42 : vector<16xi32>
        %masked_sort3A_44 = arith.constant dense<true> : vector<16xi1>
        %masked_sort3A_45, %masked_sort3A_46, %masked_sort3A_47 = tpu.sort %get3A_40, %add3A_43 masked %masked_sort3A_44 {descending = true} : (vector<16xf32>, vector<16xi32>, vector<16xi1>) -> (vector<16xi1>, vector<16xf32>, vector<16xi32>)
        %ge3A = arith.cmpf oge, %masked_sort3A_37, %masked_sort3A_46 : vector<16xf32>
        %max3A = arith.maximumf %masked_sort3A_37, %masked_sort3A_46 : vector<16xf32>
        %select_n3A = arith.select %ge3A, %masked_sort3A_38, %masked_sort3A_47 : vector<16xi1>, vector<16xi32>
        %masked_sort3A_48 = arith.constant dense<true> : vector<16xi1>
        %masked_sort3A_49, %masked_sort3A_50, %masked_sort3A_51 = tpu.sort %max3A, %select_n3A masked %masked_sort3A_48 : (vector<16xf32>, vector<16xi32>, vector<16xi1>) -> (vector<16xi1>, vector<16xf32>, vector<16xi32>)
        %get3A_52 = arith.constant 32 : index
        %get3A_53 = tpu.vector_load %arg5[%get3A_52] {strides = array<i32>} : memref<608xf32, #tpu.memory_space<vmem>>, vector<16xf32>,
        %add3A_54 = arith.constant 32 : i32
        %add3A_55 = vector.broadcast %add3A_54 : i32 to vector<16xi32>
        %add3A_56 = arith.addi %iota3A, %add3A_55 : vector<16xi32>
        %masked_sort3A_57 = arith.constant dense<true> : vector<16xi1>
        %masked_sort3A_58, %masked_sort3A_59, %masked_sort3A_60 = tpu.sort %get3A_53, %add3A_56 masked %masked_sort3A_57 {descending = true} : (vector<16xf32>, vector<16xi32>, vector<16xi1>) -> (vector<16xi1>, vector<16xf32>, vector<16xi32>)
        %ge3A_61 = arith.cmpf oge, %masked_sort3A_50, %masked_sort3A_59 : vector<16xf32>
        %max3A_62 = arith.maximumf %masked_sort3A_50, %masked_sort3A_59 : vector<16xf32>
        %select_n3A_63 = arith.select %ge3A_61, %masked_sort3A_51, %masked_sort3A_60 : vector<16xi1>, vector<16xi32>
        %masked_sort3A_64 = arith.constant dense<true> : vector<16xi1>
        %masked_sort3A_65, %masked_sort3A_66, %masked_sort3A_67 = tpu.sort %max3A_62, %select_n3A_63 masked %masked_sort3A_64 : (vector<16xf32>, vector<16xi32>, vector<16xi1>) -> (vector<16xi1>, vector<16xf32>, vector<16xi32>)
        %get3A_68 = arith.constant 48 : index
        %get3A_69 = tpu.vector_load %arg5[%get3A_68] {strides = array<i32>} : memref<608xf32, #tpu.memory_space<vmem>>, vector<16xf32>,
        %add3A_70 = arith.constant 48 : i32
        %add3A_71 = vector.broadcast %add3A_70 : i32 to vector<16xi32>
        %add3A_72 = arith.addi %iota3A, %add3A_71 : vector<16xi32>
        %masked_sort3A_73 = arith.constant dense<true> : vector<16xi1>
        %masked_sort3A_74, %masked_sort3A_75, %masked_sort3A_76 = tpu.sort %get3A_69, %add3A_72 masked %masked_sort3A_73 {descending = true} : (vector<16xf32>, vector<16xi32>, vector<16xi1>) -> (vector<16xi1>, vector<16xf32>, vector<16xi32>)
        %ge3A_77 = arith.cmpf oge, %masked_sort3A_66, %masked_sort3A_75 : vector<16xf32>
        %max3A_78 = arith.maximumf %masked_sort3A_66, %masked_sort3A_75 : vector<16xf32>
        %select_n3A_79 = arith.select %ge3A_77, %masked_sort3A_67, %masked_sort3A_76 : vector<16xi1>, vector<16xi32>
        %masked_sort3A_80 = arith.constant dense<true> : vector<16xi1>
        %masked_sort3A_81, %masked_sort3A_82, %masked_sort3A_83 = tpu.sort %max3A_78, %select_n3A_79 masked %masked_sort3A_80 : (vector<16xf32>, vector<16xi32>, vector<16xi1>) -> (vector<16xi1>, vector<16xf32>, vector<16xi32>)
        %get3A_84 = arith.constant 64 : index
        %get3A_85 = tpu.vector_load %arg5[%get3A_84] {strides = array<i32>} : memref<608xf32, #tpu.memory_space<vmem>>, vector<16xf32>,
        %add3A_86 = arith.constant 64 : i32
        %add3A_87 = vector.broadcast %add3A_86 : i32 to vector<16xi32>
        %add3A_88 = arith.addi %iota3A, %add3A_87 : vector<16xi32>
        %masked_sort3A_89 = arith.constant dense<true> : vector<16xi1>
        %masked_sort3A_90, %masked_sort3A_91, %masked_sort3A_92 = tpu.sort %get3A_85, %add3A_88 masked %masked_sort3A_89 {descending = true} : (vector<16xf32>, vector<16xi32>, vector<16xi1>) -> (vector<16xi1>, vector<16xf32>, vector<16xi32>)
        %ge3A_93 = arith.cmpf oge, %masked_sort3A_82, %masked_sort3A_91 : vector<16xf32>
        %max3A_94 = arith.maximumf %masked_sort3A_82, %masked_sort3A_91 : vector<16xf32>
        %select_n3A_95 = arith.select %ge3A_93, %masked_sort3A_83, %masked_sort3A_92 : vector<16xi1>, vector<16xi32>
        %masked_sort3A_96 = arith.constant dense<true> : vector<16xi1>
        %masked_sort3A_97, %masked_sort3A_98, %masked_sort3A_99 = tpu.sort %max3A_94, %select_n3A_95 masked %masked_sort3A_96 : (vector<16xf32>, vector<16xi32>, vector<16xi1>) -> (vector<16xi1>, vector<16xf32>, vector<16xi32>)
        %get3A_100 = arith.constant 80 : index
        %get3A_101 = tpu.vector_load %arg5[%get3A_100] {strides = array<i32>} : memref<608xf32, #tpu.memory_space<vmem>>, vector<16xf32>,
        %add3A_102 = arith.constant 80 : i32
        %add3A_103 = vector.broadcast %add3A_102 : i32 to vector<16xi32>
        %add3A_104 = arith.addi %iota3A, %add3A_103 : vector<16xi32>
        %masked_sort3A_105 = arith.constant dense<true> : vector<16xi1>
        %masked_sort3A_106, %masked_sort3A_107, %masked_sort3A_108 = tpu.sort %get3A_101, %add3A_104 masked %masked_sort3A_105 {descending = true} : (vector<16xf32>, vector<16xi32>, vector<16xi1>) -> (vector<16xi1>, vector<16xf32>, vector<16xi32>)
        %ge3A_109 = arith.cmpf oge, %masked_sort3A_98, %masked_sort3A_107 : vector<16xf32>
        %max3A_110 = arith.maximumf %masked_sort3A_98, %masked_sort3A_107 : vector<16xf32>
        %select_n3A_111 = arith.select %ge3A_109, %masked_sort3A_99, %masked_sort3A_108 : vector<16xi1>, vector<16xi32>
        %masked_sort3A_112 = arith.constant dense<true> : vector<16xi1>
        %masked_sort3A_113, %masked_sort3A_114, %masked_sort3A_115 = tpu.sort %max3A_110, %select_n3A_111 masked %masked_sort3A_112 : (vector<16xf32>, vector<16xi32>, vector<16xi1>) -> (vector<16xi1>, vector<16xf32>, vector<16xi32>)
        %get3A_116 = arith.constant 96 : index
        %get3A_117 = tpu.vector_load %arg5[%get3A_116] {strides = array<i32>} : memref<608xf32, #tpu.memory_space<vmem>>, vector<16xf32>,
        %add3A_118 = arith.constant 96 : i32
        %add3A_119 = vector.broadcast %add3A_118 : i32 to vector<16xi32>
        %add3A_120 = arith.addi %iota3A, %add3A_119 : vector<16xi32>
        %masked_sort3A_121 = arith.constant dense<true> : vector<16xi1>
        %masked_sort3A_122, %masked_sort3A_123, %masked_sort3A_124 = tpu.sort %get3A_117, %add3A_120 masked %masked_sort3A_121 {descending = true} : (vector<16xf32>, vector<16xi32>, vector<16xi1>) -> (vector<16xi1>, vector<16xf32>, vector<16xi32>)
        %ge3A_125 = arith.cmpf oge, %masked_sort3A_114, %masked_sort3A_123 : vector<16xf32>
        %max3A_126 = arith.maximumf %masked_sort3A_114, %masked_sort3A_123 : vector<16xf32>
        %select_n3A_127 = arith.select %ge3A_125, %masked_sort3A_115, %masked_sort3A_124 : vector<16xi1>, vector<16xi32>
        %masked_sort3A_128 = arith.constant dense<true> : vector<16xi1>
        %masked_sort3A_129, %masked_sort3A_130, %masked_sort3A_131 = tpu.sort %max3A_126, %select_n3A_127 masked %masked_sort3A_128 : (vector<16xf32>, vector<16xi32>, vector<16xi1>) -> (vector<16xi1>, vector<16xf32>, vector<16xi32>)
        %get3A_132 = arith.constant 112 : index
        %get3A_133 = tpu.vector_load %arg5[%get3A_132] {strides = array<i32>} : memref<608xf32, #tpu.memory_space<vmem>>, vector<16xf32>,
        %add3A_134 = arith.constant 112 : i32
        %add3A_135 = vector.broadcast %add3A_134 : i32 to vector<16xi32>
        %add3A_136 = arith.addi %iota3A, %add3A_135 : vector<16xi32>
        %masked_sort3A_137 = arith.constant dense<true> : vector<16xi1>
        %masked_sort3A_138, %masked_sort3A_139, %masked_sort3A_140 = tpu.sort %get3A_133, %add3A_136 masked %masked_sort3A_137 {descending = true} : (vector<16xf32>, vector<16xi32>, vector<16xi1>) -> (vector<16xi1>, vector<16xf32>, vector<16xi32>)
        %ge3A_141 = arith.cmpf oge, %masked_sort3A_130, %masked_sort3A_139 : vector<16xf32>
        %max3A_142 = arith.maximumf %masked_sort3A_130, %masked_sort3A_139 : vector<16xf32>
        %select_n3A_143 = arith.select %ge3A_141, %masked_sort3A_131, %masked_sort3A_140 : vector<16xi1>, vector<16xi32>
        %masked_sort3A_144 = arith.constant dense<true> : vector<16xi1>
        %masked_sort3A_145, %masked_sort3A_146, %masked_sort3A_147 = tpu.sort %max3A_142, %select_n3A_143 masked %masked_sort3A_144 : (vector<16xf32>, vector<16xi32>, vector<16xi1>) -> (vector<16xi1>, vector<16xf32>, vector<16xi32>)
        %get3A_148 = arith.constant 128 : index
        %get3A_149 = tpu.vector_load %arg5[%get3A_148] {strides = array<i32>} : memref<608xf32, #tpu.memory_space<vmem>>, vector<16xf32>,
        %add3A_150 = arith.constant 128 : i32
        %add3A_151 = vector.broadcast %add3A_150 : i32 to vector<16xi32>
        %add3A_152 = arith.addi %iota3A, %add3A_151 : vector<16xi32>
        %masked_sort3A_153 = arith.constant dense<true> : vector<16xi1>
        %masked_sort3A_154, %masked_sort3A_155, %masked_sort3A_156 = tpu.sort %get3A_149, %add3A_152 masked %masked_sort3A_153 {descending = true} : (vector<16xf32>, vector<16xi32>, vector<16xi1>) -> (vector<16xi1>, vector<16xf32>, vector<16xi32>)
        %ge3A_157 = arith.cmpf oge, %masked_sort3A_146, %masked_sort3A_155 : vector<16xf32>
        %max3A_158 = arith.maximumf %masked_sort3A_146, %masked_sort3A_155 : vector<16xf32>
        %select_n3A_159 = arith.select %ge3A_157, %masked_sort3A_147, %masked_sort3A_156 : vector<16xi1>, vector<16xi32>
        %masked_sort3A_160 = arith.constant dense<true> : vector<16xi1>
        %masked_sort3A_161, %masked_sort3A_162, %masked_sort3A_163 = tpu.sort %max3A_158, %select_n3A_159 masked %masked_sort3A_160 : (vector<16xf32>, vector<16xi32>, vector<16xi1>) -> (vector<16xi1>, vector<16xf32>, vector<16xi32>)
        %get3A_164 = arith.constant 144 : index
        %get3A_165 = tpu.vector_load %arg5[%get3A_164] {strides = array<i32>} : memref<608xf32, #tpu.memory_space<vmem>>, vector<16xf32>,
        %add3A_166 = arith.constant 144 : i32
        %add3A_167 = vector.broadcast %add3A_166 : i32 to vector<16xi32>
        %add3A_168 = arith.addi %iota3A, %add3A_167 : vector<16xi32>
        %masked_sort3A_169 = arith.constant dense<true> : vector<16xi1>
        %masked_sort3A_170, %masked_sort3A_171, %masked_sort3A_172 = tpu.sort %get3A_165, %add3A_168 masked %masked_sort3A_169 {descending = true} : (vector<16xf32>, vector<16xi32>, vector<16xi1>) -> (vector<16xi1>, vector<16xf32>, vector<16xi32>)
        %ge3A_173 = arith.cmpf oge, %masked_sort3A_162, %masked_sort3A_171 : vector<16xf32>
        %max3A_174 = arith.maximumf %masked_sort3A_162, %masked_sort3A_171 : vector<16xf32>
        %select_n3A_175 = arith.select %ge3A_173, %masked_sort3A_163, %masked_sort3A_172 : vector<16xi1>, vector<16xi32>
        %masked_sort3A_176 = arith.constant dense<true> : vector<16xi1>
        %masked_sort3A_177, %masked_sort3A_178, %masked_sort3A_179 = tpu.sort %max3A_174, %select_n3A_175 masked %masked_sort3A_176 : (vector<16xf32>, vector<16xi32>, vector<16xi1>) -> (vector<16xi1>, vector<16xf32>, vector<16xi32>)
        %get3A_180 = arith.constant 160 : index
        %get3A_181 = tpu.vector_load %arg5[%get3A_180] {strides = array<i32>} : memref<608xf32, #tpu.memory_space<vmem>>, vector<16xf32>,
        %add3A_182 = arith.constant 160 : i32
        %add3A_183 = vector.broadcast %add3A_182 : i32 to vector<16xi32>
        %add3A_184 = arith.addi %iota3A, %add3A_183 : vector<16xi32>
        %masked_sort3A_185 = arith.constant dense<true> : vector<16xi1>
        %masked_sort3A_186, %masked_sort3A_187, %masked_sort3A_188 = tpu.sort %get3A_181, %add3A_184 masked %masked_sort3A_185 {descending = true} : (vector<16xf32>, vector<16xi32>, vector<16xi1>) -> (vector<16xi1>, vector<16xf32>, vector<16xi32>)
        %ge3A_189 = arith.cmpf oge, %masked_sort3A_178, %masked_sort3A_187 : vector<16xf32>
        %max3A_190 = arith.maximumf %masked_sort3A_178, %masked_sort3A_187 : vector<16xf32>
        %select_n3A_191 = arith.select %ge3A_189, %masked_sort3A_179, %masked_sort3A_188 : vector<16xi1>, vector<16xi32>
        %masked_sort3A_192 = arith.constant dense<true> : vector<16xi1>
        %masked_sort3A_193, %masked_sort3A_194, %masked_sort3A_195 = tpu.sort %max3A_190, %select_n3A_191 masked %masked_sort3A_192 : (vector<16xf32>, vector<16xi32>, vector<16xi1>) -> (vector<16xi1>, vector<16xf32>, vector<16xi32>)
        %get3A_196 = arith.constant 176 : index
        %get3A_197 = tpu.vector_load %arg5[%get3A_196] {strides = array<i32>} : memref<608xf32, #tpu.memory_space<vmem>>, vector<16xf32>,
        %add3A_198 = arith.constant 176 : i32
        %add3A_199 = vector.broadcast %add3A_198 : i32 to vector<16xi32>
        %add3A_200 = arith.addi %iota3A, %add3A_199 : vector<16xi32>
        %masked_sort3A_201 = arith.constant dense<true> : vector<16xi1>
        %masked_sort3A_202, %masked_sort3A_203, %masked_sort3A_204 = tpu.sort %get3A_197, %add3A_200 masked %masked_sort3A_201 {descending = true} : (vector<16xf32>, vector<16xi32>, vector<16xi1>) -> (vector<16xi1>, vector<16xf32>, vector<16xi32>)
        %ge3A_205 = arith.cmpf oge, %masked_sort3A_194, %masked_sort3A_203 : vector<16xf32>
        %max3A_206 = arith.maximumf %masked_sort3A_194, %masked_sort3A_203 : vector<16xf32>
        %select_n3A_207 = arith.select %ge3A_205, %masked_sort3A_195, %masked_sort3A_204 : vector<16xi1>, vector<16xi32>
        %masked_sort3A_208 = arith.constant dense<true> : vector<16xi1>
        %masked_sort3A_209, %masked_sort3A_210, %masked_sort3A_211 = tpu.sort %max3A_206, %select_n3A_207 masked %masked_sort3A_208 : (vector<16xf32>, vector<16xi32>, vector<16xi1>) -> (vector<16xi1>, vector<16xf32>, vector<16xi32>)
        %get3A_212 = arith.constant 192 : index
        %get3A_213 = tpu.vector_load %arg5[%get3A_212] {strides = array<i32>} : memref<608xf32, #tpu.memory_space<vmem>>, vector<16xf32>,
        %add3A_214 = arith.constant 192 : i32
        %add3A_215 = vector.broadcast %add3A_214 : i32 to vector<16xi32>
        %add3A_216 = arith.addi %iota3A, %add3A_215 : vector<16xi32>
        %masked_sort3A_217 = arith.constant dense<true> : vector<16xi1>
        %masked_sort3A_218, %masked_sort3A_219, %masked_sort3A_220 = tpu.sort %get3A_213, %add3A_216 masked %masked_sort3A_217 {descending = true} : (vector<16xf32>, vector<16xi32>, vector<16xi1>) -> (vector<16xi1>, vector<16xf32>, vector<16xi32>)
        %ge3A_221 = arith.cmpf oge, %masked_sort3A_210, %masked_sort3A_219 : vector<16xf32>
        %max3A_222 = arith.maximumf %masked_sort3A_210, %masked_sort3A_219 : vector<16xf32>
        %select_n3A_223 = arith.select %ge3A_221, %masked_sort3A_211, %masked_sort3A_220 : vector<16xi1>, vector<16xi32>
        %masked_sort3A_224 = arith.constant dense<true> : vector<16xi1>
        %masked_sort3A_225, %masked_sort3A_226, %masked_sort3A_227 = tpu.sort %max3A_222, %select_n3A_223 masked %masked_sort3A_224 : (vector<16xf32>, vector<16xi32>, vector<16xi1>) -> (vector<16xi1>, vector<16xf32>, vector<16xi32>)
        %get3A_228 = arith.constant 208 : index
        %get3A_229 = tpu.vector_load %arg5[%get3A_228] {strides = array<i32>} : memref<608xf32, #tpu.memory_space<vmem>>, vector<16xf32>,
        %add3A_230 = arith.constant 208 : i32
        %add3A_231 = vector.broadcast %add3A_230 : i32 to vector<16xi32>
        %add3A_232 = arith.addi %iota3A, %add3A_231 : vector<16xi32>
        %masked_sort3A_233 = arith.constant dense<true> : vector<16xi1>
        %masked_sort3A_234, %masked_sort3A_235, %masked_sort3A_236 = tpu.sort %get3A_229, %add3A_232 masked %masked_sort3A_233 {descending = true} : (vector<16xf32>, vector<16xi32>, vector<16xi1>) -> (vector<16xi1>, vector<16xf32>, vector<16xi32>)
        %ge3A_237 = arith.cmpf oge, %masked_sort3A_226, %masked_sort3A_235 : vector<16xf32>
        %max3A_238 = arith.maximumf %masked_sort3A_226, %masked_sort3A_235 : vector<16xf32>
        %select_n3A_239 = arith.select %ge3A_237, %masked_sort3A_227, %masked_sort3A_236 : vector<16xi1>, vector<16xi32>
        %masked_sort3A_240 = arith.constant dense<true> : vector<16xi1>
        %masked_sort3A_241, %masked_sort3A_242, %masked_sort3A_243 = tpu.sort %max3A_238, %select_n3A_239 masked %masked_sort3A_240 : (vector<16xf32>, vector<16xi32>, vector<16xi1>) -> (vector<16xi1>, vector<16xf32>, vector<16xi32>)
        %get3A_244 = arith.constant 224 : index
        %get3A_245 = tpu.vector_load %arg5[%get3A_244] {strides = array<i32>} : memref<608xf32, #tpu.memory_space<vmem>>, vector<16xf32>,
        %add3A_246 = arith.constant 224 : i32
        %add3A_247 = vector.broadcast %add3A_246 : i32 to vector<16xi32>
        %add3A_248 = arith.addi %iota3A, %add3A_247 : vector<16xi32>
        %masked_sort3A_249 = arith.constant dense<true> : vector<16xi1>
        %masked_sort3A_250, %masked_sort3A_251, %masked_sort3A_252 = tpu.sort %get3A_245, %add3A_248 masked %masked_sort3A_249 {descending = true} : (vector<16xf32>, vector<16xi32>, vector<16xi1>) -> (vector<16xi1>, vector<16xf32>, vector<16xi32>)
        %ge3A_253 = arith.cmpf oge, %masked_sort3A_242, %masked_sort3A_251 : vector<16xf32>
        %max3A_254 = arith.maximumf %masked_sort3A_242, %masked_sort3A_251 : vector<16xf32>
        %select_n3A_255 = arith.select %ge3A_253, %masked_sort3A_243, %masked_sort3A_252 : vector<16xi1>, vector<16xi32>
        %masked_sort3A_256 = arith.constant dense<true> : vector<16xi1>
        %masked_sort3A_257, %masked_sort3A_258, %masked_sort3A_259 = tpu.sort %max3A_254, %select_n3A_255 masked %masked_sort3A_256 : (vector<16xf32>, vector<16xi32>, vector<16xi1>) -> (vector<16xi1>, vector<16xf32>, vector<16xi32>)
        %get3A_260 = arith.constant 240 : index
        %get3A_261 = tpu.vector_load %arg5[%get3A_260] {strides = array<i32>} : memref<608xf32, #tpu.memory_space<vmem>>, vector<16xf32>,
        %add3A_262 = arith.constant 240 : i32
        %add3A_263 = vector.broadcast %add3A_262 : i32 to vector<16xi32>
        %add3A_264 = arith.addi %iota3A, %add3A_263 : vector<16xi32>
        %masked_sort3A_265 = arith.constant dense<true> : vector<16xi1>
        %masked_sort3A_266, %masked_sort3A_267, %masked_sort3A_268 = tpu.sort %get3A_261, %add3A_264 masked %masked_sort3A_265 {descending = true} : (vector<16xf32>, vector<16xi32>, vector<16xi1>) -> (vector<16xi1>, vector<16xf32>, vector<16xi32>)
        %ge3A_269 = arith.cmpf oge, %masked_sort3A_258, %masked_sort3A_267 : vector<16xf32>
        %max3A_270 = arith.maximumf %masked_sort3A_258, %masked_sort3A_267 : vector<16xf32>
        %select_n3A_271 = arith.select %ge3A_269, %masked_sort3A_259, %masked_sort3A_268 : vector<16xi1>, vector<16xi32>
        %masked_sort3A_272 = arith.constant dense<true> : vector<16xi1>
        %masked_sort3A_273, %masked_sort3A_274, %masked_sort3A_275 = tpu.sort %max3A_270, %select_n3A_271 masked %masked_sort3A_272 : (vector<16xf32>, vector<16xi32>, vector<16xi1>) -> (vector<16xi1>, vector<16xf32>, vector<16xi32>)
        %get3A_276 = arith.constant 256 : index
        %get3A_277 = tpu.vector_load %arg5[%get3A_276] {strides = array<i32>} : memref<608xf32, #tpu.memory_space<vmem>>, vector<16xf32>,
        %add3A_278 = arith.constant 256 : i32
        %add3A_279 = vector.broadcast %add3A_278 : i32 to vector<16xi32>
        %add3A_280 = arith.addi %iota3A, %add3A_279 : vector<16xi32>
        %masked_sort3A_281 = arith.constant dense<true> : vector<16xi1>
        %masked_sort3A_282, %masked_sort3A_283, %masked_sort3A_284 = tpu.sort %get3A_277, %add3A_280 masked %masked_sort3A_281 {descending = true} : (vector<16xf32>, vector<16xi32>, vector<16xi1>) -> (vector<16xi1>, vector<16xf32>, vector<16xi32>)
        %ge3A_285 = arith.cmpf oge, %masked_sort3A_274, %masked_sort3A_283 : vector<16xf32>
        %max3A_286 = arith.maximumf %masked_sort3A_274, %masked_sort3A_283 : vector<16xf32>
        %select_n3A_287 = arith.select %ge3A_285, %masked_sort3A_275, %masked_sort3A_284 : vector<16xi1>, vector<16xi32>
        %masked_sort3A_288 = arith.constant dense<true> : vector<16xi1>
        %masked_sort3A_289, %masked_sort3A_290, %masked_sort3A_291 = tpu.sort %max3A_286, %select_n3A_287 masked %masked_sort3A_288 : (vector<16xf32>, vector<16xi32>, vector<16xi1>) -> (vector<16xi1>, vector<16xf32>, vector<16xi32>)
        %get3A_292 = arith.constant 272 : index
        %get3A_293 = tpu.vector_load %arg5[%get3A_292] {strides = array<i32>} : memref<608xf32, #tpu.memory_space<vmem>>, vector<16xf32>,
        %add3A_294 = arith.constant 272 : i32
        %add3A_295 = vector.broadcast %add3A_294 : i32 to vector<16xi32>
        %add3A_296 = arith.addi %iota3A, %add3A_295 : vector<16xi32>
        %masked_sort3A_297 = arith.constant dense<true> : vector<16xi1>
        %masked_sort3A_298, %masked_sort3A_299, %masked_sort3A_300 = tpu.sort %get3A_293, %add3A_296 masked %masked_sort3A_297 {descending = true} : (vector<16xf32>, vector<16xi32>, vector<16xi1>) -> (vector<16xi1>, vector<16xf32>, vector<16xi32>)
        %ge3A_301 = arith.cmpf oge, %masked_sort3A_290, %masked_sort3A_299 : vector<16xf32>
        %max3A_302 = arith.maximumf %masked_sort3A_290, %masked_sort3A_299 : vector<16xf32>
        %select_n3A_303 = arith.select %ge3A_301, %masked_sort3A_291, %masked_sort3A_300 : vector<16xi1>, vector<16xi32>
        %masked_sort3A_304 = arith.constant dense<true> : vector<16xi1>
        %masked_sort3A_305, %masked_sort3A_306, %masked_sort3A_307 = tpu.sort %max3A_302, %select_n3A_303 masked %masked_sort3A_304 : (vector<16xf32>, vector<16xi32>, vector<16xi1>) -> (vector<16xi1>, vector<16xf32>, vector<16xi32>)
        %get3A_308 = arith.constant 288 : index
        %get3A_309 = tpu.vector_load %arg5[%get3A_308] {strides = array<i32>} : memref<608xf32, #tpu.memory_space<vmem>>, vector<16xf32>,
        %add3A_310 = arith.constant 288 : i32
        %add3A_311 = vector.broadcast %add3A_310 : i32 to vector<16xi32>
        %add3A_312 = arith.addi %iota3A, %add3A_311 : vector<16xi32>
        %masked_sort3A_313 = arith.constant dense<true> : vector<16xi1>
        %masked_sort3A_314, %masked_sort3A_315, %masked_sort3A_316 = tpu.sort %get3A_309, %add3A_312 masked %masked_sort3A_313 {descending = true} : (vector<16xf32>, vector<16xi32>, vector<16xi1>) -> (vector<16xi1>, vector<16xf32>, vector<16xi32>)
        %ge3A_317 = arith.cmpf oge, %masked_sort3A_306, %masked_sort3A_315 : vector<16xf32>
        %max3A_318 = arith.maximumf %masked_sort3A_306, %masked_sort3A_315 : vector<16xf32>
        %select_n3A_319 = arith.select %ge3A_317, %masked_sort3A_307, %masked_sort3A_316 : vector<16xi1>, vector<16xi32>
        %masked_sort3A_320 = arith.constant dense<true> : vector<16xi1>
        %masked_sort3A_321, %masked_sort3A_322, %masked_sort3A_323 = tpu.sort %max3A_318, %select_n3A_319 masked %masked_sort3A_320 : (vector<16xf32>, vector<16xi32>, vector<16xi1>) -> (vector<16xi1>, vector<16xf32>, vector<16xi32>)
        %get3A_324 = arith.constant 304 : index
        %get3A_325 = tpu.vector_load %arg5[%get3A_324] {strides = array<i32>} : memref<608xf32, #tpu.memory_space<vmem>>, vector<16xf32>,
        %add3A_326 = arith.constant 304 : i32
        %add3A_327 = vector.broadcast %add3A_326 : i32 to vector<16xi32>
        %add3A_328 = arith.addi %iota3A, %add3A_327 : vector<16xi32>
        %masked_sort3A_329 = arith.constant dense<true> : vector<16xi1>
        %masked_sort3A_330, %masked_sort3A_331, %masked_sort3A_332 = tpu.sort %get3A_325, %add3A_328 masked %masked_sort3A_329 {descending = true} : (vector<16xf32>, vector<16xi32>, vector<16xi1>) -> (vector<16xi1>, vector<16xf32>, vector<16xi32>)
        %ge3A_333 = arith.cmpf oge, %masked_sort3A_322, %masked_sort3A_331 : vector<16xf32>
        %max3A_334 = arith.maximumf %masked_sort3A_322, %masked_sort3A_331 : vector<16xf32>
        %select_n3A_335 = arith.select %ge3A_333, %masked_sort3A_323, %masked_sort3A_332 : vector<16xi1>, vector<16xi32>
        %masked_sort3A_336 = arith.constant dense<true> : vector<16xi1>
        %masked_sort3A_337, %masked_sort3A_338, %masked_sort3A_339 = tpu.sort %max3A_334, %select_n3A_335 masked %masked_sort3A_336 : (vector<16xf32>, vector<16xi32>, vector<16xi1>) -> (vector<16xi1>, vector<16xf32>, vector<16xi32>)
        %get3A_340 = arith.constant 320 : index
        %get3A_341 = tpu.vector_load %arg5[%get3A_340] {strides = array<i32>} : memref<608xf32, #tpu.memory_space<vmem>>, vector<16xf32>,
        %add3A_342 = arith.constant 320 : i32
        %add3A_343 = vector.broadcast %add3A_342 : i32 to vector<16xi32>
        %add3A_344 = arith.addi %iota3A, %add3A_343 : vector<16xi32>
        %masked_sort3A_345 = arith.constant dense<true> : vector<16xi1>
        %masked_sort3A_346, %masked_sort3A_347, %masked_sort3A_348 = tpu.sort %get3A_341, %add3A_344 masked %masked_sort3A_345 {descending = true} : (vector<16xf32>, vector<16xi32>, vector<16xi1>) -> (vector<16xi1>, vector<16xf32>, vector<16xi32>)
        %ge3A_349 = arith.cmpf oge, %masked_sort3A_338, %masked_sort3A_347 : vector<16xf32>
        %max3A_350 = arith.maximumf %masked_sort3A_338, %masked_sort3A_347 : vector<16xf32>
        %select_n3A_351 = arith.select %ge3A_349, %masked_sort3A_339, %masked_sort3A_348 : vector<16xi1>, vector<16xi32>
        %masked_sort3A_352 = arith.constant dense<true> : vector<16xi1>
        %masked_sort3A_353, %masked_sort3A_354, %masked_sort3A_355 = tpu.sort %max3A_350, %select_n3A_351 masked %masked_sort3A_352 : (vector<16xf32>, vector<16xi32>, vector<16xi1>) -> (vector<16xi1>, vector<16xf32>, vector<16xi32>)
        %get3A_356 = arith.constant 336 : index
        %get3A_357 = tpu.vector_load %arg5[%get3A_356] {strides = array<i32>} : memref<608xf32, #tpu.memory_space<vmem>>, vector<16xf32>,
        %add3A_358 = arith.constant 336 : i32
        %add3A_359 = vector.broadcast %add3A_358 : i32 to vector<16xi32>
        %add3A_360 = arith.addi %iota3A, %add3A_359 : vector<16xi32>
        %masked_sort3A_361 = arith.constant dense<true> : vector<16xi1>
        %masked_sort3A_362, %masked_sort3A_363, %masked_sort3A_364 = tpu.sort %get3A_357, %add3A_360 masked %masked_sort3A_361 {descending = true} : (vector<16xf32>, vector<16xi32>, vector<16xi1>) -> (vector<16xi1>, vector<16xf32>, vector<16xi32>)
        %ge3A_365 = arith.cmpf oge, %masked_sort3A_354, %masked_sort3A_363 : vector<16xf32>
        %max3A_366 = arith.maximumf %masked_sort3A_354, %masked_sort3A_363 : vector<16xf32>
        %select_n3A_367 = arith.select %ge3A_365, %masked_sort3A_355, %masked_sort3A_364 : vector<16xi1>, vector<16xi32>
        %masked_sort3A_368 = arith.constant dense<true> : vector<16xi1>
        %masked_sort3A_369, %masked_sort3A_370, %masked_sort3A_371 = tpu.sort %max3A_366, %select_n3A_367 masked %masked_sort3A_368 : (vector<16xf32>, vector<16xi32>, vector<16xi1>) -> (vector<16xi1>, vector<16xf32>, vector<16xi32>)
        %get3A_372 = arith.constant 352 : index
        %get3A_373 = tpu.vector_load %arg5[%get3A_372] {strides = array<i32>} : memref<608xf32, #tpu.memory_space<vmem>>, vector<16xf32>,
        %add3A_374 = arith.constant 352 : i32
        %add3A_375 = vector.broadcast %add3A_374 : i32 to vector<16xi32>
        %add3A_376 = arith.addi %iota3A, %add3A_375 : vector<16xi32>
        %masked_sort3A_377 = arith.constant dense<true> : vector<16xi1>
        %masked_sort3A_378, %masked_sort3A_379, %masked_sort3A_380 = tpu.sort %get3A_373, %add3A_376 masked %masked_sort3A_377 {descending = true} : (vector<16xf32>, vector<16xi32>, vector<16xi1>) -> (vector<16xi1>, vector<16xf32>, vector<16xi32>)
        %ge3A_381 = arith.cmpf oge, %masked_sort3A_370, %masked_sort3A_379 : vector<16xf32>
        %max3A_382 = arith.maximumf %masked_sort3A_370, %masked_sort3A_379 : vector<16xf32>
        %select_n3A_383 = arith.select %ge3A_381, %masked_sort3A_371, %masked_sort3A_380 : vector<16xi1>, vector<16xi32>
        %masked_sort3A_384 = arith.constant dense<true> : vector<16xi1>
        %masked_sort3A_385, %masked_sort3A_386, %masked_sort3A_387 = tpu.sort %max3A_382, %select_n3A_383 masked %masked_sort3A_384 : (vector<16xf32>, vector<16xi32>, vector<16xi1>) -> (vector<16xi1>, vector<16xf32>, vector<16xi32>)
        %get3A_388 = arith.constant 368 : index
        %get3A_389 = tpu.vector_load %arg5[%get3A_388] {strides = array<i32>} : memref<608xf32, #tpu.memory_space<vmem>>, vector<16xf32>,
        %add3A_390 = arith.constant 368 : i32
        %add3A_391 = vector.broadcast %add3A_390 : i32 to vector<16xi32>
        %add3A_392 = arith.addi %iota3A, %add3A_391 : vector<16xi32>
        %masked_sort3A_393 = arith.constant dense<true> : vector<16xi1>
        %masked_sort3A_394, %masked_sort3A_395, %masked_sort3A_396 = tpu.sort %get3A_389, %add3A_392 masked %masked_sort3A_393 {descending = true} : (vector<16xf32>, vector<16xi32>, vector<16xi1>) -> (vector<16xi1>, vector<16xf32>, vector<16xi32>)
        %ge3A_397 = arith.cmpf oge, %masked_sort3A_386, %masked_sort3A_395 : vector<16xf32>
        %max3A_398 = arith.maximumf %masked_sort3A_386, %masked_sort3A_395 : vector<16xf32>
        %select_n3A_399 = arith.select %ge3A_397, %masked_sort3A_387, %masked_sort3A_396 : vector<16xi1>, vector<16xi32>
        %masked_sort3A_400 = arith.constant dense<true> : vector<16xi1>
        %masked_sort3A_401, %masked_sort3A_402, %masked_sort3A_403 = tpu.sort %max3A_398, %select_n3A_399 masked %masked_sort3A_400 : (vector<16xf32>, vector<16xi32>, vector<16xi1>) -> (vector<16xi1>, vector<16xf32>, vector<16xi32>)
        %get3A_404 = arith.constant 384 : index
        %get3A_405 = tpu.vector_load %arg5[%get3A_404] {strides = array<i32>} : memref<608xf32, #tpu.memory_space<vmem>>, vector<16xf32>,
        %add3A_406 = arith.constant 384 : i32
        %add3A_407 = vector.broadcast %add3A_406 : i32 to vector<16xi32>
        %add3A_408 = arith.addi %iota3A, %add3A_407 : vector<16xi32>
        %masked_sort3A_409 = arith.constant dense<true> : vector<16xi1>
        %masked_sort3A_410, %masked_sort3A_411, %masked_sort3A_412 = tpu.sort %get3A_405, %add3A_408 masked %masked_sort3A_409 {descending = true} : (vector<16xf32>, vector<16xi32>, vector<16xi1>) -> (vector<16xi1>, vector<16xf32>, vector<16xi32>)
        %ge3A_413 = arith.cmpf oge, %masked_sort3A_402, %masked_sort3A_411 : vector<16xf32>
        %max3A_414 = arith.maximumf %masked_sort3A_402, %masked_sort3A_411 : vector<16xf32>
        %select_n3A_415 = arith.select %ge3A_413, %masked_sort3A_403, %masked_sort3A_412 : vector<16xi1>, vector<16xi32>
        %masked_sort3A_416 = arith.constant dense<true> : vector<16xi1>
        %masked_sort3A_417, %masked_sort3A_418, %masked_sort3A_419 = tpu.sort %max3A_414, %select_n3A_415 masked %masked_sort3A_416 : (vector<16xf32>, vector<16xi32>, vector<16xi1>) -> (vector<16xi1>, vector<16xf32>, vector<16xi32>)
        %get3A_420 = arith.constant 400 : index
        %get3A_421 = tpu.vector_load %arg5[%get3A_420] {strides = array<i32>} : memref<608xf32, #tpu.memory_space<vmem>>, vector<16xf32>,
        %add3A_422 = arith.constant 400 : i32
        %add3A_423 = vector.broadcast %add3A_422 : i32 to vector<16xi32>
        %add3A_424 = arith.addi %iota3A, %add3A_423 : vector<16xi32>
        %masked_sort3A_425 = arith.constant dense<true> : vector<16xi1>
        %masked_sort3A_426, %masked_sort3A_427, %masked_sort3A_428 = tpu.sort %get3A_421, %add3A_424 masked %masked_sort3A_425 {descending = true} : (vector<16xf32>, vector<16xi32>, vector<16xi1>) -> (vector<16xi1>, vector<16xf32>, vector<16xi32>)
        %ge3A_429 = arith.cmpf oge, %masked_sort3A_418, %masked_sort3A_427 : vector<16xf32>
        %max3A_430 = arith.maximumf %masked_sort3A_418, %masked_sort3A_427 : vector<16xf32>
        %select_n3A_431 = arith.select %ge3A_429, %masked_sort3A_419, %masked_sort3A_428 : vector<16xi1>, vector<16xi32>
        %masked_sort3A_432 = arith.constant dense<true> : vector<16xi1>
        %masked_sort3A_433, %masked_sort3A_434, %masked_sort3A_435 = tpu.sort %max3A_430, %select_n3A_431 masked %masked_sort3A_432 : (vector<16xf32>, vector<16xi32>, vector<16xi1>) -> (vector<16xi1>, vector<16xf32>, vector<16xi32>)
        %get3A_436 = arith.constant 416 : index
        %get3A_437 = tpu.vector_load %arg5[%get3A_436] {strides = array<i32>} : memref<608xf32, #tpu.memory_space<vmem>>, vector<16xf32>,
        %add3A_438 = arith.constant 416 : i32
        %add3A_439 = vector.broadcast %add3A_438 : i32 to vector<16xi32>
        %add3A_440 = arith.addi %iota3A, %add3A_439 : vector<16xi32>
        %masked_sort3A_441 = arith.constant dense<true> : vector<16xi1>
        %masked_sort3A_442, %masked_sort3A_443, %masked_sort3A_444 = tpu.sort %get3A_437, %add3A_440 masked %masked_sort3A_441 {descending = true} : (vector<16xf32>, vector<16xi32>, vector<16xi1>) -> (vector<16xi1>, vector<16xf32>, vector<16xi32>)
        %ge3A_445 = arith.cmpf oge, %masked_sort3A_434, %masked_sort3A_443 : vector<16xf32>
        %max3A_446 = arith.maximumf %masked_sort3A_434, %masked_sort3A_443 : vector<16xf32>
        %select_n3A_447 = arith.select %ge3A_445, %masked_sort3A_435, %masked_sort3A_444 : vector<16xi1>, vector<16xi32>
        %masked_sort3A_448 = arith.constant dense<true> : vector<16xi1>
        %masked_sort3A_449, %masked_sort3A_450, %masked_sort3A_451 = tpu.sort %max3A_446, %select_n3A_447 masked %masked_sort3A_448 : (vector<16xf32>, vector<16xi32>, vector<16xi1>) -> (vector<16xi1>, vector<16xf32>, vector<16xi32>)
        %get3A_452 = arith.constant 432 : index
        %get3A_453 = tpu.vector_load %arg5[%get3A_452] {strides = array<i32>} : memref<608xf32, #tpu.memory_space<vmem>>, vector<16xf32>,
        %add3A_454 = arith.constant 432 : i32
        %add3A_455 = vector.broadcast %add3A_454 : i32 to vector<16xi32>
        %add3A_456 = arith.addi %iota3A, %add3A_455 : vector<16xi32>
        %masked_sort3A_457 = arith.constant dense<true> : vector<16xi1>
        %masked_sort3A_458, %masked_sort3A_459, %masked_sort3A_460 = tpu.sort %get3A_453, %add3A_456 masked %masked_sort3A_457 {descending = true} : (vector<16xf32>, vector<16xi32>, vector<16xi1>) -> (vector<16xi1>, vector<16xf32>, vector<16xi32>)
        %ge3A_461 = arith.cmpf oge, %masked_sort3A_450, %masked_sort3A_459 : vector<16xf32>
        %max3A_462 = arith.maximumf %masked_sort3A_450, %masked_sort3A_459 : vector<16xf32>
        %select_n3A_463 = arith.select %ge3A_461, %masked_sort3A_451, %masked_sort3A_460 : vector<16xi1>, vector<16xi32>
        %masked_sort3A_464 = arith.constant dense<true> : vector<16xi1>
        %masked_sort3A_465, %masked_sort3A_466, %masked_sort3A_467 = tpu.sort %max3A_462, %select_n3A_463 masked %masked_sort3A_464 : (vector<16xf32>, vector<16xi32>, vector<16xi1>) -> (vector<16xi1>, vector<16xf32>, vector<16xi32>)
        %get3A_468 = arith.constant 448 : index
        %get3A_469 = tpu.vector_load %arg5[%get3A_468] {strides = array<i32>} : memref<608xf32, #tpu.memory_space<vmem>>, vector<16xf32>,
        %add3A_470 = arith.constant 448 : i32
        %add3A_471 = vector.broadcast %add3A_470 : i32 to vector<16xi32>
        %add3A_472 = arith.addi %iota3A, %add3A_471 : vector<16xi32>
        %masked_sort3A_473 = arith.constant dense<true> : vector<16xi1>
        %masked_sort3A_474, %masked_sort3A_475, %masked_sort3A_476 = tpu.sort %get3A_469, %add3A_472 masked %masked_sort3A_473 {descending = true} : (vector<16xf32>, vector<16xi32>, vector<16xi1>) -> (vector<16xi1>, vector<16xf32>, vector<16xi32>)
        %ge3A_477 = arith.cmpf oge, %masked_sort3A_466, %masked_sort3A_475 : vector<16xf32>
        %max3A_478 = arith.maximumf %masked_sort3A_466, %masked_sort3A_475 : vector<16xf32>
        %select_n3A_479 = arith.select %ge3A_477, %masked_sort3A_467, %masked_sort3A_476 : vector<16xi1>, vector<16xi32>
        %masked_sort3A_480 = arith.constant dense<true> : vector<16xi1>
        %masked_sort3A_481, %masked_sort3A_482, %masked_sort3A_483 = tpu.sort %max3A_478, %select_n3A_479 masked %masked_sort3A_480 : (vector<16xf32>, vector<16xi32>, vector<16xi1>) -> (vector<16xi1>, vector<16xf32>, vector<16xi32>)
        %get3A_484 = arith.constant 464 : index
        %get3A_485 = tpu.vector_load %arg5[%get3A_484] {strides = array<i32>} : memref<608xf32, #tpu.memory_space<vmem>>, vector<16xf32>,
        %add3A_486 = arith.constant 464 : i32
        %add3A_487 = vector.broadcast %add3A_486 : i32 to vector<16xi32>
        %add3A_488 = arith.addi %iota3A, %add3A_487 : vector<16xi32>
        %masked_sort3A_489 = arith.constant dense<true> : vector<16xi1>
        %masked_sort3A_490, %masked_sort3A_491, %masked_sort3A_492 = tpu.sort %get3A_485, %add3A_488 masked %masked_sort3A_489 {descending = true} : (vector<16xf32>, vector<16xi32>, vector<16xi1>) -> (vector<16xi1>, vector<16xf32>, vector<16xi32>)
        %ge3A_493 = arith.cmpf oge, %masked_sort3A_482, %masked_sort3A_491 : vector<16xf32>
        %max3A_494 = arith.maximumf %masked_sort3A_482, %masked_sort3A_491 : vector<16xf32>
        %select_n3A_495 = arith.select %ge3A_493, %masked_sort3A_483, %masked_sort3A_492 : vector<16xi1>, vector<16xi32>
        %masked_sort3A_496 = arith.constant dense<true> : vector<16xi1>
        %masked_sort3A_497, %masked_sort3A_498, %masked_sort3A_499 = tpu.sort %max3A_494, %select_n3A_495 masked %masked_sort3A_496 : (vector<16xf32>, vector<16xi32>, vector<16xi1>) -> (vector<16xi1>, vector<16xf32>, vector<16xi32>)
        %get3A_500 = arith.constant 480 : index
        %get3A_501 = tpu.vector_load %arg5[%get3A_500] {strides = array<i32>} : memref<608xf32, #tpu.memory_space<vmem>>, vector<16xf32>,
        %add3A_502 = arith.constant 480 : i32
        %add3A_503 = vector.broadcast %add3A_502 : i32 to vector<16xi32>
        %add3A_504 = arith.addi %iota3A, %add3A_503 : vector<16xi32>
        %masked_sort3A_505 = arith.constant dense<true> : vector<16xi1>
        %masked_sort3A_506, %masked_sort3A_507, %masked_sort3A_508 = tpu.sort %get3A_501, %add3A_504 masked %masked_sort3A_505 {descending = true} : (vector<16xf32>, vector<16xi32>, vector<16xi1>) -> (vector<16xi1>, vector<16xf32>, vector<16xi32>)
        %ge3A_509 = arith.cmpf oge, %masked_sort3A_498, %masked_sort3A_507 : vector<16xf32>
        %max3A_510 = arith.maximumf %masked_sort3A_498, %masked_sort3A_507 : vector<16xf32>
        %select_n3A_511 = arith.select %ge3A_509, %masked_sort3A_499, %masked_sort3A_508 : vector<16xi1>, vector<16xi32>
        %masked_sort3A_512 = arith.constant dense<true> : vector<16xi1>
        %masked_sort3A_513, %masked_sort3A_514, %masked_sort3A_515 = tpu.sort %max3A_510, %select_n3A_511 masked %masked_sort3A_512 : (vector<16xf32>, vector<16xi32>, vector<16xi1>) -> (vector<16xi1>, vector<16xf32>, vector<16xi32>)
        %get3A_516 = arith.constant 496 : index
        %get3A_517 = tpu.vector_load %arg5[%get3A_516] {strides = array<i32>} : memref<608xf32, #tpu.memory_space<vmem>>, vector<16xf32>,
        %add3A_518 = arith.constant 496 : i32
        %add3A_519 = vector.broadcast %add3A_518 : i32 to vector<16xi32>
        %add3A_520 = arith.addi %iota3A, %add3A_519 : vector<16xi32>
        %masked_sort3A_521 = arith.constant dense<true> : vector<16xi1>
        %masked_sort3A_522, %masked_sort3A_523, %masked_sort3A_524 = tpu.sort %get3A_517, %add3A_520 masked %masked_sort3A_521 {descending = true} : (vector<16xf32>, vector<16xi32>, vector<16xi1>) -> (vector<16xi1>, vector<16xf32>, vector<16xi32>)
        %ge3A_525 = arith.cmpf oge, %masked_sort3A_514, %masked_sort3A_523 : vector<16xf32>
        %max3A_526 = arith.maximumf %masked_sort3A_514, %masked_sort3A_523 : vector<16xf32>
        %select_n3A_527 = arith.select %ge3A_525, %masked_sort3A_515, %masked_sort3A_524 : vector<16xi1>, vector<16xi32>
        %masked_sort3A_528 = arith.constant dense<true> : vector<16xi1>
        %masked_sort3A_529, %masked_sort3A_530, %masked_sort3A_531 = tpu.sort %max3A_526, %select_n3A_527 masked %masked_sort3A_528 : (vector<16xf32>, vector<16xi32>, vector<16xi1>) -> (vector<16xi1>, vector<16xf32>, vector<16xi32>)
        %get3A_532 = arith.constant 512 : index
        %get3A_533 = tpu.vector_load %arg5[%get3A_532] {strides = array<i32>} : memref<608xf32, #tpu.memory_space<vmem>>, vector<16xf32>,
        %add3A_534 = arith.constant 512 : i32
        %add3A_535 = vector.broadcast %add3A_534 : i32 to vector<16xi32>
        %add3A_536 = arith.addi %iota3A, %add3A_535 : vector<16xi32>
        %masked_sort3A_537 = arith.constant dense<true> : vector<16xi1>
        %masked_sort3A_538, %masked_sort3A_539, %masked_sort3A_540 = tpu.sort %get3A_533, %add3A_536 masked %masked_sort3A_537 {descending = true} : (vector<16xf32>, vector<16xi32>, vector<16xi1>) -> (vector<16xi1>, vector<16xf32>, vector<16xi32>)
        %ge3A_541 = arith.cmpf oge, %masked_sort3A_530, %masked_sort3A_539 : vector<16xf32>
        %max3A_542 = arith.maximumf %masked_sort3A_530, %masked_sort3A_539 : vector<16xf32>
        %select_n3A_543 = arith.select %ge3A_541, %masked_sort3A_531, %masked_sort3A_540 : vector<16xi1>, vector<16xi32>
        %masked_sort3A_544 = arith.constant dense<true> : vector<16xi1>
        %masked_sort3A_545, %masked_sort3A_546, %masked_sort3A_547 = tpu.sort %max3A_542, %select_n3A_543 masked %masked_sort3A_544 : (vector<16xf32>, vector<16xi32>, vector<16xi1>) -> (vector<16xi1>, vector<16xf32>, vector<16xi32>)
        %get3A_548 = arith.constant 528 : index
        %get3A_549 = tpu.vector_load %arg5[%get3A_548] {strides = array<i32>} : memref<608xf32, #tpu.memory_space<vmem>>, vector<16xf32>,
        %add3A_550 = arith.constant 528 : i32
        %add3A_551 = vector.broadcast %add3A_550 : i32 to vector<16xi32>
        %add3A_552 = arith.addi %iota3A, %add3A_551 : vector<16xi32>
        %masked_sort3A_553 = arith.constant dense<true> : vector<16xi1>
        %masked_sort3A_554, %masked_sort3A_555, %masked_sort3A_556 = tpu.sort %get3A_549, %add3A_552 masked %masked_sort3A_553 {descending = true} : (vector<16xf32>, vector<16xi32>, vector<16xi1>) -> (vector<16xi1>, vector<16xf32>, vector<16xi32>)
        %ge3A_557 = arith.cmpf oge, %masked_sort3A_546, %masked_sort3A_555 : vector<16xf32>
        %max3A_558 = arith.maximumf %masked_sort3A_546, %masked_sort3A_555 : vector<16xf32>
        %select_n3A_559 = arith.select %ge3A_557, %masked_sort3A_547, %masked_sort3A_556 : vector<16xi1>, vector<16xi32>
        %masked_sort3A_560 = arith.constant dense<true> : vector<16xi1>
        %masked_sort3A_561, %masked_sort3A_562, %masked_sort3A_563 = tpu.sort %max3A_558, %select_n3A_559 masked %masked_sort3A_560 : (vector<16xf32>, vector<16xi32>, vector<16xi1>) -> (vector<16xi1>, vector<16xf32>, vector<16xi32>)
        %get3A_564 = arith.constant 544 : index
        %get3A_565 = tpu.vector_load %arg5[%get3A_564] {strides = array<i32>} : memref<608xf32, #tpu.memory_space<vmem>>, vector<16xf32>,
        %add3A_566 = arith.constant 544 : i32
        %add3A_567 = vector.broadcast %add3A_566 : i32 to vector<16xi32>
        %add3A_568 = arith.addi %iota3A, %add3A_567 : vector<16xi32>
        %masked_sort3A_569 = arith.constant dense<true> : vector<16xi1>
        %masked_sort3A_570, %masked_sort3A_571, %masked_sort3A_572 = tpu.sort %get3A_565, %add3A_568 masked %masked_sort3A_569 {descending = true} : (vector<16xf32>, vector<16xi32>, vector<16xi1>) -> (vector<16xi1>, vector<16xf32>, vector<16xi32>)
        %ge3A_573 = arith.cmpf oge, %masked_sort3A_562, %masked_sort3A_571 : vector<16xf32>
        %max3A_574 = arith.maximumf %masked_sort3A_562, %masked_sort3A_571 : vector<16xf32>
        %select_n3A_575 = arith.select %ge3A_573, %masked_sort3A_563, %masked_sort3A_572 : vector<16xi1>, vector<16xi32>
        %masked_sort3A_576 = arith.constant dense<true> : vector<16xi1>
        %masked_sort3A_577, %masked_sort3A_578, %masked_sort3A_579 = tpu.sort %max3A_574, %select_n3A_575 masked %masked_sort3A_576 : (vector<16xf32>, vector<16xi32>, vector<16xi1>) -> (vector<16xi1>, vector<16xf32>, vector<16xi32>)
        %get3A_580 = arith.constant 560 : index
        %get3A_581 = tpu.vector_load %arg5[%get3A_580] {strides = array<i32>} : memref<608xf32, #tpu.memory_space<vmem>>, vector<16xf32>,
        %add3A_582 = arith.constant 560 : i32
        %add3A_583 = vector.broadcast %add3A_582 : i32 to vector<16xi32>
        %add3A_584 = arith.addi %iota3A, %add3A_583 : vector<16xi32>
        %masked_sort3A_585 = arith.constant dense<true> : vector<16xi1>
        %masked_sort3A_586, %masked_sort3A_587, %masked_sort3A_588 = tpu.sort %get3A_581, %add3A_584 masked %masked_sort3A_585 {descending = true} : (vector<16xf32>, vector<16xi32>, vector<16xi1>) -> (vector<16xi1>, vector<16xf32>, vector<16xi32>)
        %ge3A_589 = arith.cmpf oge, %masked_sort3A_578, %masked_sort3A_587 : vector<16xf32>
        %max3A_590 = arith.maximumf %masked_sort3A_578, %masked_sort3A_587 : vector<16xf32>
        %select_n3A_591 = arith.select %ge3A_589, %masked_sort3A_579, %masked_sort3A_588 : vector<16xi1>, vector<16xi32>
        %masked_sort3A_592 = arith.constant dense<true> : vector<16xi1>
        %masked_sort3A_593, %masked_sort3A_594, %masked_sort3A_595 = tpu.sort %max3A_590, %select_n3A_591 masked %masked_sort3A_592 : (vector<16xf32>, vector<16xi32>, vector<16xi1>) -> (vector<16xi1>, vector<16xf32>, vector<16xi32>)
        %get3A_596 = arith.constant 576 : index
        %get3A_597 = tpu.vector_load %arg5[%get3A_596] {strides = array<i32>} : memref<608xf32, #tpu.memory_space<vmem>>, vector<16xf32>,
        %add3A_598 = arith.constant 576 : i32
        %add3A_599 = vector.broadcast %add3A_598 : i32 to vector<16xi32>
        %add3A_600 = arith.addi %iota3A, %add3A_599 : vector<16xi32>
        %masked_sort3A_601 = arith.constant dense<true> : vector<16xi1>
        %masked_sort3A_602, %masked_sort3A_603, %masked_sort3A_604 = tpu.sort %get3A_597, %add3A_600 masked %masked_sort3A_601 {descending = true} : (vector<16xf32>, vector<16xi32>, vector<16xi1>) -> (vector<16xi1>, vector<16xf32>, vector<16xi32>)
        %ge3A_605 = arith.cmpf oge, %masked_sort3A_594, %masked_sort3A_603 : vector<16xf32>
        %max3A_606 = arith.maximumf %masked_sort3A_594, %masked_sort3A_603 : vector<16xf32>
        %select_n3A_607 = arith.select %ge3A_605, %masked_sort3A_595, %masked_sort3A_604 : vector<16xi1>, vector<16xi32>
        %masked_sort3A_608 = arith.constant dense<true> : vector<16xi1>
        %masked_sort3A_609, %masked_sort3A_610, %masked_sort3A_611 = tpu.sort %max3A_606, %select_n3A_607 masked %masked_sort3A_608 : (vector<16xf32>, vector<16xi32>, vector<16xi1>) -> (vector<16xi1>, vector<16xf32>, vector<16xi32>)
        %get3A_612 = arith.constant 592 : index
        %get3A_613 = tpu.vector_load %arg5[%get3A_612] {strides = array<i32>} : memref<608xf32, #tpu.memory_space<vmem>>, vector<16xf32>,
        %add3A_614 = arith.constant 592 : i32
        %add3A_615 = vector.broadcast %add3A_614 : i32 to vector<16xi32>
        %add3A_616 = arith.addi %iota3A, %add3A_615 : vector<16xi32>
        %masked_sort3A_617 = arith.constant dense<true> : vector<16xi1>
        %masked_sort3A_618, %masked_sort3A_619, %masked_sort3A_620 = tpu.sort %get3A_613, %add3A_616 masked %masked_sort3A_617 {descending = true} : (vector<16xf32>, vector<16xi32>, vector<16xi1>) -> (vector<16xi1>, vector<16xf32>, vector<16xi32>)
        %ge3A_621 = arith.cmpf oge, %masked_sort3A_610, %masked_sort3A_619 : vector<16xf32>
        %max3A_622 = arith.maximumf %masked_sort3A_610, %masked_sort3A_619 : vector<16xf32>
        %select_n3A_623 = arith.select %ge3A_621, %masked_sort3A_611, %masked_sort3A_620 : vector<16xi1>, vector<16xi32>
        %masked_sort3A_624 = arith.constant dense<true> : vector<16xi1>
        %masked_sort3A_625, %masked_sort3A_626, %masked_sort3A_627 = tpu.sort %max3A_622, %select_n3A_623 masked %masked_sort3A_624 : (vector<16xf32>, vector<16xi32>, vector<16xi1>) -> (vector<16xi1>, vector<16xf32>, vector<16xi32>)
        %swap3A = arith.index_cast %add3A_21 : i32 to index
        %swap3A_628 = arith.constant 0 : index
        %swap3A_629 = tpu.vector_load %arg6[%swap3A, %swap3A_628] {strides = array<i32>} : memref<19x16xi32, #tpu.memory_space<vmem>>, vector<16xi32>,
        tpu.vector_store %arg6[%swap3A, %swap3A_628], %masked_sort3A_627 {strides = array<i32>} : memref<19x16xi32, #tpu.memory_space<vmem>>, vector<16xi32>,
        %add3A_630 = arith.constant 2 : i32
        %add3A_631 = arith.addi %add3A_21, %add3A_630 : i32
        %lt3A_632 = arith.cmpi slt, %add3A_631, %min3A_4 : i32
        %convert_element_type3A_633 = arith.extui %lt3A_632 : i1 to i32
        %cond3A_634 = arith.constant 0 : i32
        %cond3A_635 = arith.cmpi ne, %convert_element_type3A_633, %cond3A_634 : i32
        scf.if %cond3A_635 {
          %add3A_636 = arith.addi %mul3A_2, %add3A_21 : i32
          %add3A_637 = arith.constant 2 : i32
          %add3A_638 = arith.addi %add3A_636, %add3A_637 : i32
          %dma_start3A = arith.constant 0 : i32
          %dma_start3A_639 = tpu.memref_slice %arg2[%add3A_638, %dma_start3A] : memref<600x608xf32, #tpu.memory_space<hbm>> -> memref<1x608xf32, #tpu.memory_space<hbm>>
          %dma_start3A_640 = tpu.memref_squeeze %dma_start3A_639 : memref<1x608xf32, #tpu.memory_space<hbm>> -> memref<608xf32, #tpu.memory_space<hbm>>
          %dma_start3A_641 = arith.constant 0 : i32
          %dma_start3A_642 = tpu.memref_slice %arg2[%add3A_638, %dma_start3A_641] : memref<600x608xf32, #tpu.memory_space<hbm>> -> memref<1x608xf32, #tpu.memory_space<hbm>>
          %dma_start3A_643 = tpu.memref_squeeze %dma_start3A_642 : memref<1x608xf32, #tpu.memory_space<hbm>> -> memref<608xf32, #tpu.memory_space<hbm>>
          tpu.enqueue_dma source(%dma_start3A_643 : memref<608xf32, #tpu.memory_space<hbm>>) target(%arg5 : memref<608xf32, #tpu.memory_space<vmem>>) target_semaphore(%arg8 : memref<!tpu.dma_semaphore, #tpu.memory_space<semaphore_mem>>)
        } else {
        }
      } else {
      }
    }
    %scan3A_16 = arith.constant 10 : i32
    "tpu.region"() ({
      %run_scoped3A = tpu.sem_alloc : memref<!tpu.dma_semaphore, #tpu.memory_space<semaphore_mem>>
      %dma_start3A = arith.constant 0 : i32
      %dma_start3A_17 = arith.constant 0 : i32
      %dma_start3A_18 = tpu.memref_slice %arg3[%add3A, %dma_start3A, %dma_start3A_17] : memref<32x19x16xi32, #tpu.memory_space<hbm>> -> memref<1x19x16xi32, #tpu.memory_space<hbm>>
      %dma_start3A_19 = tpu.memref_squeeze %dma_start3A_18 : memref<1x19x16xi32, #tpu.memory_space<hbm>> -> memref<19x16xi32, #tpu.memory_space<hbm>>
      %dma_start3A_20 = arith.constant 0 : i32
      %dma_start3A_21 = arith.constant 0 : i32
      %dma_start3A_22 = tpu.memref_slice %arg3[%add3A, %dma_start3A_20, %dma_start3A_21] : memref<32x19x16xi32, #tpu.memory_space<hbm>> -> memref<1x19x16xi32, #tpu.memory_space<hbm>>
      %dma_start3A_23 = tpu.memref_squeeze %dma_start3A_22 : memref<1x19x16xi32, #tpu.memory_space<hbm>> -> memref<19x16xi32, #tpu.memory_space<hbm>>
      tpu.enqueue_dma source(%arg6 : memref<19x16xi32, #tpu.memory_space<vmem>>) target(%dma_start3A_23 : memref<19x16xi32, #tpu.memory_space<hbm>>) target_semaphore(%run_scoped3A : memref<!tpu.dma_semaphore, #tpu.memory_space<semaphore_mem>>)
      %dma_wait3A = arith.constant 0 : i32
      %dma_wait3A_24 = arith.constant 0 : i32
      %dma_wait3A_25 = tpu.memref_slice %arg3[%add3A, %dma_wait3A, %dma_wait3A_24] : memref<32x19x16xi32, #tpu.memory_space<hbm>> -> memref<1x19x16xi32, #tpu.memory_space<hbm>>
      %dma_wait3A_26 = tpu.memref_squeeze %dma_wait3A_25 : memref<1x19x16xi32, #tpu.memory_space<hbm>> -> memref<19x16xi32, #tpu.memory_space<hbm>>
      %dma_wait3A_27 = arith.constant 0 : i32
      %dma_wait3A_28 = arith.constant 0 : i32
      %dma_wait3A_29 = tpu.memref_slice %arg3[%add3A, %dma_wait3A_27, %dma_wait3A_28] : memref<32x19x16xi32, #tpu.memory_space<hbm>> -> memref<1x19x16xi32, #tpu.memory_space<hbm>>
      %dma_wait3A_30 = tpu.memref_squeeze %dma_wait3A_29 : memref<1x19x16xi32, #tpu.memory_space<hbm>> -> memref<19x16xi32, #tpu.memory_space<hbm>>
      tpu.wait_dma2 semaphore(%run_scoped3A : memref<!tpu.dma_semaphore, #tpu.memory_space<semaphore_mem>>) src(%arg6 : memref<19x16xi32, #tpu.memory_space<vmem>>) dst(%dma_wait3A_30 : memref<19x16xi32, #tpu.memory_space<hbm>>)
      tpu.yield
    }) : () -> ()
    return
  }
}

module attributes {stable_mosaic.version = 14 : i64} {
  func.func @_embed_body(%arg0: i32, %arg1: memref<125x192x49xf32, #tpu.memory_space<vmem>>, %arg2: memref<192x192xf32, #tpu.memory_space<vmem>>, %arg3: memref<192x192xf32, #tpu.memory_space<vmem>>, %arg4: memref<1x125x192xf32, #tpu.memory_space<vmem>>, %arg5: memref<1x125x192xf32, #tpu.memory_space<vmem>>) attributes {dimension_semantics = [#tpu.dimension_semantics<arbitrary>], iteration_bounds = array<i64: 4>, scalar_prefetch = 0 : i64, scratch_operands = 0 : i64, tpu.core_type = #tpu.core_type<tc>, window_params = [{transform_indices = @transform_0, window_bounds = array<i64: 125, 192, 49>}, {pipeline_mode = #tpu.pipeline_mode<synchronous>, transform_indices = @transform_1, window_bounds = array<i64: 192, 192>}, {pipeline_mode = #tpu.pipeline_mode<synchronous>, transform_indices = @transform_2, window_bounds = array<i64: 192, 192>}, {transform_indices = @transform_3, window_bounds = array<i64: 1, 125, 192>}, {transform_indices = @transform_4, window_bounds = array<i64: 1, 125, 192>}]} {
    %get3A = arith.constant 0 : index
    %get3A_0 = arith.constant 0 : index
    %get3A_1 = arith.constant 0 : index
    %get3A_2 = vector.load %arg1[%get3A, %get3A_0, %get3A_1] : memref<125x192x49xf32, #tpu.memory_space<vmem>>, vector<125x192x49xf32>
    %convert_element_type3A = arith.truncf %get3A_2 : vector<125x192x49xf32> to vector<125x192x49xbf16>
    %convert_element_type3A_3 = arith.extf %convert_element_type3A : vector<125x192x49xbf16> to vector<125x192x49xf32>
    %reduce_sum3A = arith.constant dense<0.000000e+00> : vector<125x192xf32>
    %reduce_sum3A_4 = vector.multi_reduction <add>, %convert_element_type3A_3, %reduce_sum3A [2] : vector<125x192x49xf32> to vector<125x192xf32>
    %div3A = arith.constant 4.900000e+01 : f32
    %div3A_5 = vector.broadcast %div3A : f32 to vector<125x192xf32>
    %div3A_6 = arith.divf %reduce_sum3A_4, %div3A_5 : vector<125x192xf32>
    %get3A_7 = arith.constant 0 : index
    %get3A_8 = arith.constant 0 : index
    %get3A_9 = vector.load %arg2[%get3A_7, %get3A_8] : memref<192x192xf32, #tpu.memory_space<vmem>>, vector<192x192xf32>
    %convert_element_type3A_10 = arith.truncf %get3A_9 : vector<192x192xf32> to vector<192x192xbf16>
    %convert_element_type3A_11 = arith.extf %convert_element_type3A_10 : vector<192x192xbf16> to vector<192x192xf32>
    %get3A_12 = arith.constant 0 : index
    %get3A_13 = arith.constant 0 : index
    %get3A_14 = vector.load %arg3[%get3A_12, %get3A_13] : memref<192x192xf32, #tpu.memory_space<vmem>>, vector<192x192xf32>
    %convert_element_type3A_15 = arith.truncf %get3A_14 : vector<192x192xf32> to vector<192x192xbf16>
    %convert_element_type3A_16 = arith.extf %convert_element_type3A_15 : vector<192x192xbf16> to vector<192x192xf32>
    %dot_general3A = arith.constant dense<0.000000e+00> : vector<125x192xf32>
    %dot_general3A_17 = tpu.matmul %div3A_6, %convert_element_type3A_11, %dot_general3A {dimension_numbers = #tpu.dot_dimension_numbers<[1], [1], [0], [0], [0, 0, 1, 0], [], []>, precision = #tpu.contract_precision<fp32>, transpose_lhs_hint = false} : vector<125x192xf32>, vector<192x192xf32>, vector<125x192xf32> -> vector<125x192xf32>
    %broadcast_in_dim3A = vector.shape_cast %dot_general3A_17 : vector<125x192xf32> to vector<1x125x192xf32>
    %swap3A = arith.constant 0 : index
    %swap3A_18 = arith.constant 0 : index
    %swap3A_19 = arith.constant 0 : index
    %swap3A_20 = vector.load %arg4[%swap3A, %swap3A_18, %swap3A_19] : memref<1x125x192xf32, #tpu.memory_space<vmem>>, vector<1x125x192xf32>
    tpu.vector_store %arg4[%swap3A, %swap3A_18, %swap3A_19], %broadcast_in_dim3A {strides = array<i32>} : memref<1x125x192xf32, #tpu.memory_space<vmem>>, vector<1x125x192xf32>,
    %dot_general3A_21 = arith.constant dense<0.000000e+00> : vector<125x192xf32>
    %dot_general3A_22 = tpu.matmul %div3A_6, %convert_element_type3A_16, %dot_general3A_21 {dimension_numbers = #tpu.dot_dimension_numbers<[1], [1], [0], [0], [0, 0, 1, 0], [], []>, precision = #tpu.contract_precision<fp32>, transpose_lhs_hint = false} : vector<125x192xf32>, vector<192x192xf32>, vector<125x192xf32> -> vector<125x192xf32>
    %broadcast_in_dim3A_23 = vector.shape_cast %dot_general3A_22 : vector<125x192xf32> to vector<1x125x192xf32>
    %swap3A_24 = arith.constant 0 : index
    %swap3A_25 = arith.constant 0 : index
    %swap3A_26 = arith.constant 0 : index
    %swap3A_27 = vector.load %arg5[%swap3A_24, %swap3A_25, %swap3A_26] : memref<1x125x192xf32, #tpu.memory_space<vmem>>, vector<1x125x192xf32>
    tpu.vector_store %arg5[%swap3A_24, %swap3A_25, %swap3A_26], %broadcast_in_dim3A_23 {strides = array<i32>} : memref<1x125x192xf32, #tpu.memory_space<vmem>>, vector<1x125x192xf32>,
    return
  }
  func.func @transform_0(%arg0: i32) -> (i32, i32, i32) {
    %c0_i32 = arith.constant 0 : i32
    %c0_i32_0 = arith.constant 0 : i32
    %c0_i32_1 = arith.constant 0 : i32
    return %arg0, %c0_i32, %c0_i32_0 : i32, i32, i32
  }
  func.func @transform_1(%arg0: i32) -> (i32, i32) {
    %c0_i32 = arith.constant 0 : i32
    %c0_i32_0 = arith.constant 0 : i32
    %c0_i32_1 = arith.constant 0 : i32
    return %c0_i32, %c0_i32_0 : i32, i32
  }
  func.func @transform_2(%arg0: i32) -> (i32, i32) {
    %c0_i32 = arith.constant 0 : i32
    %c0_i32_0 = arith.constant 0 : i32
    %c0_i32_1 = arith.constant 0 : i32
    return %c0_i32, %c0_i32_0 : i32, i32
  }
  func.func @transform_3(%arg0: i32) -> (i32, i32, i32) {
    %c0_i32 = arith.constant 0 : i32
    %c0_i32_0 = arith.constant 0 : i32
    %c0_i32_1 = arith.constant 0 : i32
    return %arg0, %c0_i32, %c0_i32_0 : i32, i32, i32
  }
  func.func @transform_4(%arg0: i32) -> (i32, i32, i32) {
    %c0_i32 = arith.constant 0 : i32
    %c0_i32_0 = arith.constant 0 : i32
    %c0_i32_1 = arith.constant 0 : i32
    return %arg0, %c0_i32, %c0_i32_0 : i32, i32, i32
  }
}

module attributes {stable_mosaic.version = 14 : i64} {
  func.func @_embed_body(%arg0: i32, %arg1: memref<100x192x49xf32, #tpu.memory_space<vmem>>, %arg2: memref<192x192xf32, #tpu.memory_space<vmem>>, %arg3: memref<192x192xf32, #tpu.memory_space<vmem>>, %arg4: memref<1x100x192xf32, #tpu.memory_space<vmem>>, %arg5: memref<1x100x192xf32, #tpu.memory_space<vmem>>) attributes {dimension_semantics = [#tpu.dimension_semantics<arbitrary>], iteration_bounds = array<i64: 1>, scalar_prefetch = 0 : i64, scratch_operands = 0 : i64, tpu.core_type = #tpu.core_type<tc>, window_params = [{transform_indices = @transform_0, window_bounds = array<i64: 100, 192, 49>}, {pipeline_mode = #tpu.pipeline_mode<synchronous>, transform_indices = @transform_1, window_bounds = array<i64: 192, 192>}, {pipeline_mode = #tpu.pipeline_mode<synchronous>, transform_indices = @transform_2, window_bounds = array<i64: 192, 192>}, {transform_indices = @transform_3, window_bounds = array<i64: 1, 100, 192>}, {transform_indices = @transform_4, window_bounds = array<i64: 1, 100, 192>}]} {
    %get3A = arith.constant 0 : index
    %get3A_0 = arith.constant 0 : index
    %get3A_1 = arith.constant 0 : index
    %get3A_2 = vector.load %arg1[%get3A, %get3A_0, %get3A_1] : memref<100x192x49xf32, #tpu.memory_space<vmem>>, vector<100x192x49xf32>
    %convert_element_type3A = arith.truncf %get3A_2 : vector<100x192x49xf32> to vector<100x192x49xbf16>
    %convert_element_type3A_3 = arith.extf %convert_element_type3A : vector<100x192x49xbf16> to vector<100x192x49xf32>
    %reduce_sum3A = arith.constant dense<0.000000e+00> : vector<100x192xf32>
    %reduce_sum3A_4 = vector.multi_reduction <add>, %convert_element_type3A_3, %reduce_sum3A [2] : vector<100x192x49xf32> to vector<100x192xf32>
    %div3A = arith.constant 4.900000e+01 : f32
    %div3A_5 = vector.broadcast %div3A : f32 to vector<100x192xf32>
    %div3A_6 = arith.divf %reduce_sum3A_4, %div3A_5 : vector<100x192xf32>
    %get3A_7 = arith.constant 0 : index
    %get3A_8 = arith.constant 0 : index
    %get3A_9 = vector.load %arg2[%get3A_7, %get3A_8] : memref<192x192xf32, #tpu.memory_space<vmem>>, vector<192x192xf32>
    %convert_element_type3A_10 = arith.truncf %get3A_9 : vector<192x192xf32> to vector<192x192xbf16>
    %convert_element_type3A_11 = arith.extf %convert_element_type3A_10 : vector<192x192xbf16> to vector<192x192xf32>
    %get3A_12 = arith.constant 0 : index
    %get3A_13 = arith.constant 0 : index
    %get3A_14 = vector.load %arg3[%get3A_12, %get3A_13] : memref<192x192xf32, #tpu.memory_space<vmem>>, vector<192x192xf32>
    %convert_element_type3A_15 = arith.truncf %get3A_14 : vector<192x192xf32> to vector<192x192xbf16>
    %convert_element_type3A_16 = arith.extf %convert_element_type3A_15 : vector<192x192xbf16> to vector<192x192xf32>
    %dot_general3A = arith.constant dense<0.000000e+00> : vector<100x192xf32>
    %dot_general3A_17 = tpu.matmul %div3A_6, %convert_element_type3A_11, %dot_general3A {dimension_numbers = #tpu.dot_dimension_numbers<[1], [1], [0], [0], [0, 0, 1, 0], [], []>, precision = #tpu.contract_precision<fp32>, transpose_lhs_hint = false} : vector<100x192xf32>, vector<192x192xf32>, vector<100x192xf32> -> vector<100x192xf32>
    %broadcast_in_dim3A = vector.shape_cast %dot_general3A_17 : vector<100x192xf32> to vector<1x100x192xf32>
    %swap3A = arith.constant 0 : index
    %swap3A_18 = arith.constant 0 : index
    %swap3A_19 = arith.constant 0 : index
    %swap3A_20 = vector.load %arg4[%swap3A, %swap3A_18, %swap3A_19] : memref<1x100x192xf32, #tpu.memory_space<vmem>>, vector<1x100x192xf32>
    tpu.vector_store %arg4[%swap3A, %swap3A_18, %swap3A_19], %broadcast_in_dim3A {strides = array<i32>} : memref<1x100x192xf32, #tpu.memory_space<vmem>>, vector<1x100x192xf32>,
    %dot_general3A_21 = arith.constant dense<0.000000e+00> : vector<100x192xf32>
    %dot_general3A_22 = tpu.matmul %div3A_6, %convert_element_type3A_16, %dot_general3A_21 {dimension_numbers = #tpu.dot_dimension_numbers<[1], [1], [0], [0], [0, 0, 1, 0], [], []>, precision = #tpu.contract_precision<fp32>, transpose_lhs_hint = false} : vector<100x192xf32>, vector<192x192xf32>, vector<100x192xf32> -> vector<100x192xf32>
    %broadcast_in_dim3A_23 = vector.shape_cast %dot_general3A_22 : vector<100x192xf32> to vector<1x100x192xf32>
    %swap3A_24 = arith.constant 0 : index
    %swap3A_25 = arith.constant 0 : index
    %swap3A_26 = arith.constant 0 : index
    %swap3A_27 = vector.load %arg5[%swap3A_24, %swap3A_25, %swap3A_26] : memref<1x100x192xf32, #tpu.memory_space<vmem>>, vector<1x100x192xf32>
    tpu.vector_store %arg5[%swap3A_24, %swap3A_25, %swap3A_26], %broadcast_in_dim3A_23 {strides = array<i32>} : memref<1x100x192xf32, #tpu.memory_space<vmem>>, vector<1x100x192xf32>,
    return
  }
  func.func @transform_0(%arg0: i32) -> (i32, i32, i32) {
    %c0_i32 = arith.constant 0 : i32
    %c0_i32_0 = arith.constant 0 : i32
    %c0_i32_1 = arith.constant 0 : i32
    return %arg0, %c0_i32, %c0_i32_0 : i32, i32, i32
  }
  func.func @transform_1(%arg0: i32) -> (i32, i32) {
    %c0_i32 = arith.constant 0 : i32
    %c0_i32_0 = arith.constant 0 : i32
    %c0_i32_1 = arith.constant 0 : i32
    return %c0_i32, %c0_i32_0 : i32, i32
  }
  func.func @transform_2(%arg0: i32) -> (i32, i32) {
    %c0_i32 = arith.constant 0 : i32
    %c0_i32_0 = arith.constant 0 : i32
    %c0_i32_1 = arith.constant 0 : i32
    return %c0_i32, %c0_i32_0 : i32, i32
  }
  func.func @transform_3(%arg0: i32) -> (i32, i32, i32) {
    %c0_i32 = arith.constant 0 : i32
    %c0_i32_0 = arith.constant 0 : i32
    %c0_i32_1 = arith.constant 0 : i32
    return %arg0, %c0_i32, %c0_i32_0 : i32, i32, i32
  }
  func.func @transform_4(%arg0: i32) -> (i32, i32, i32) {
    %c0_i32 = arith.constant 0 : i32
    %c0_i32_0 = arith.constant 0 : i32
    %c0_i32_1 = arith.constant 0 : i32
    return %arg0, %c0_i32, %c0_i32_0 : i32, i32, i32
  }
}

module attributes {stable_mosaic.version = 14 : i64} {
  func.func @_affinity_body(%arg0: memref<100x192xf32, #tpu.memory_space<vmem>>, %arg1: memref<500x192xf32, #tpu.memory_space<vmem>>, %arg2: memref<600x608xf32, #tpu.memory_space<vmem>>) attributes {dimension_semantics = [], scalar_prefetch = 0 : i64, scratch_operands = 0 : i64, tpu.core_type = #tpu.core_type<tc>} {
    %get3A = arith.constant 0 : index
    %get3A_0 = arith.constant 0 : index
    %get3A_1 = vector.load %arg0[%get3A, %get3A_0] : memref<100x192xf32, #tpu.memory_space<vmem>>, vector<100x192xf32>
    %get3A_2 = arith.constant 0 : index
    %get3A_3 = arith.constant 0 : index
    %get3A_4 = vector.load %arg1[%get3A_2, %get3A_3] : memref<500x192xf32, #tpu.memory_space<vmem>>, vector<500x192xf32>
    %concatenate3A = tpu.concatenate %get3A_1, %get3A_4 in 0 : vector<100x192xf32>, vector<500x192xf32> -> vector<600x192xf32>
    %dot_general3A = arith.constant dense<0.000000e+00> : vector<600x600xf32>
    %dot_general3A_5 = tpu.matmul %concatenate3A, %concatenate3A, %dot_general3A {dimension_numbers = #tpu.dot_dimension_numbers<[1], [1], [0], [0], [0, 0, 1, 0], [], []>, precision = #tpu.contract_precision<fp32>, transpose_lhs_hint = false} : vector<600x192xf32>, vector<600x192xf32>, vector<600x600xf32> -> vector<600x600xf32>
    %mul3A = arith.mulf %concatenate3A, %concatenate3A : vector<600x192xf32>
    %reduce_sum3A = arith.constant dense<0.000000e+00> : vector<600xf32>
    %reduce_sum3A_6 = vector.multi_reduction <add>, %mul3A, %reduce_sum3A [1] : vector<600x192xf32> to vector<600xf32>
    %broadcast_in_dim3A = vector.shape_cast %reduce_sum3A_6 : vector<600xf32> to vector<600x1xf32>
    %broadcast_in_dim3A_7 = vector.shape_cast %reduce_sum3A_6 : vector<600xf32> to vector<1x600xf32>
    %add3A = vector.broadcast %broadcast_in_dim3A : vector<600x1xf32> to vector<600x600xf32>
    %add3A_8 = vector.broadcast %broadcast_in_dim3A_7 : vector<1x600xf32> to vector<600x600xf32>
    %add3A_9 = arith.addf %add3A, %add3A_8 : vector<600x600xf32>
    %mul3A_10 = arith.constant 2.000000e+00 : f32
    %mul3A_11 = vector.broadcast %mul3A_10 : f32 to vector<600x600xf32>
    %mul3A_12 = arith.mulf %mul3A_11, %dot_general3A_5 : vector<600x600xf32>
    %sub3A = arith.subf %add3A_9, %mul3A_12 : vector<600x600xf32>
    %iota3A = tpu.iota {dimensions = array<i32: 0>} : vector<600x600xi32>
    %iota3A_13 = tpu.iota {dimensions = array<i32: 1>} : vector<600x600xi32>
    %eq3A = arith.cmpi eq, %iota3A, %iota3A_13 : vector<600x600xi32>
    %max3A = arith.constant 0.000000e+00 : f32
    %max3A_14 = vector.broadcast %max3A : f32 to vector<600x600xf32>
    %max3A_15 = arith.maximumf %sub3A, %max3A_14 : vector<600x600xf32>
    %jit3A = arith.constant 0.000000e+00 : f32
    %broadcast_in_dim3A_16 = vector.broadcast %jit3A : f32 to vector<600x600xf32>
    %select_n3A = arith.select %eq3A, %broadcast_in_dim3A_16, %max3A_15 : vector<600x600xi1>, vector<600x600xf32>
    %ne3A = arith.constant 0.000000e+00 : f32
    %ne3A_17 = vector.broadcast %ne3A : f32 to vector<600x600xf32>
    %ne3A_18 = arith.cmpf one, %select_n3A, %ne3A_17 : vector<600x600xf32>
    %convert_element_type3A = arith.extui %ne3A_18 : vector<600x600xi1> to vector<600x600xi32>
    %convert_element_type3A_19 = arith.sitofp %convert_element_type3A : vector<600x600xi32> to vector<600x600xf32>
    %reduce_sum3A_20 = vector.shape_cast %convert_element_type3A_19 : vector<600x600xf32> to vector<1x600x600xf32>
    %reduce_sum3A_21 = arith.constant dense<0.000000e+00> : vector<1xf32>
    %reduce_sum3A_22 = vector.multi_reduction <add>, %reduce_sum3A_20, %reduce_sum3A_21 [1, 2] : vector<1x600x600xf32> to vector<1xf32>
    %reduce_sum3A_23 = vector.shape_cast %reduce_sum3A_22 : vector<1xf32> to vector<1x1x1xf32>
    %reduce_sum3A_24 = vector.extract %reduce_sum3A_23[0, 0, 0] : f32 from vector<1x1x1xf32>
    %reduce_sum3A_25 = vector.shape_cast %select_n3A : vector<600x600xf32> to vector<1x600x600xf32>
    %reduce_sum3A_26 = arith.constant dense<0.000000e+00> : vector<1xf32>
    %reduce_sum3A_27 = vector.multi_reduction <add>, %reduce_sum3A_25, %reduce_sum3A_26 [1, 2] : vector<1x600x600xf32> to vector<1xf32>
    %reduce_sum3A_28 = vector.shape_cast %reduce_sum3A_27 : vector<1xf32> to vector<1x1x1xf32>
    %reduce_sum3A_29 = vector.extract %reduce_sum3A_28[0, 0, 0] : f32 from vector<1x1x1xf32>
    %div3A = arith.divf %reduce_sum3A_29, %reduce_sum3A_24 : f32
    %sub3A_30 = vector.broadcast %div3A : f32 to vector<600x600xf32>
    %sub3A_31 = arith.subf %select_n3A, %sub3A_30 : vector<600x600xf32>
    %integer_pow3A = arith.mulf %sub3A_31, %sub3A_31 : vector<600x600xf32>
    %jit3A_32 = arith.constant 0.000000e+00 : f32
    %broadcast_in_dim3A_33 = vector.broadcast %jit3A_32 : f32 to vector<600x600xf32>
    %select_n3A_34 = arith.select %ne3A_18, %integer_pow3A, %broadcast_in_dim3A_33 : vector<600x600xi1>, vector<600x600xf32>
    %reduce_sum3A_35 = vector.shape_cast %select_n3A_34 : vector<600x600xf32> to vector<1x600x600xf32>
    %reduce_sum3A_36 = arith.constant dense<0.000000e+00> : vector<1xf32>
    %reduce_sum3A_37 = vector.multi_reduction <add>, %reduce_sum3A_35, %reduce_sum3A_36 [1, 2] : vector<1x600x600xf32> to vector<1xf32>
    %reduce_sum3A_38 = vector.shape_cast %reduce_sum3A_37 : vector<1xf32> to vector<1x1x1xf32>
    %reduce_sum3A_39 = vector.extract %reduce_sum3A_38[0, 0, 0] : f32 from vector<1x1x1xf32>
    %sub3A_40 = arith.constant 1.000000e+00 : f32
    %sub3A_41 = arith.subf %reduce_sum3A_24, %sub3A_40 : f32
    %div3A_42 = arith.divf %reduce_sum3A_39, %sub3A_41 : f32
    %sqrt3A = math.sqrt %div3A_42 : f32
    %div3A_43 = vector.broadcast %sqrt3A : f32 to vector<600x600xf32>
    %div3A_44 = arith.divf %select_n3A, %div3A_43 : vector<600x600xf32>
    %neg3A = arith.constant 0.000000e+00 : f32
    %neg3A_45 = vector.broadcast %neg3A : f32 to vector<600x600xf32>
    %neg3A_46 = arith.subf %neg3A_45, %div3A_44 : vector<600x600xf32>
    %div3A_47 = arith.constant 2.000000e+00 : f32
    %div3A_48 = vector.broadcast %div3A_47 : f32 to vector<600x600xf32>
    %div3A_49 = arith.divf %neg3A_46, %div3A_48 : vector<600x600xf32>
    %exp3A = math.exp %div3A_49 : vector<600x600xf32>
    %broadcast_in_dim3A_50 = arith.constant 0.000000e+00 : f32
    %broadcast_in_dim3A_51 = vector.broadcast %broadcast_in_dim3A_50 : f32 to vector<600x8xf32>
    %concatenate3A_52 = tpu.concatenate %exp3A, %broadcast_in_dim3A_51 in 1 : vector<600x600xf32>, vector<600x8xf32> -> vector<600x608xf32>
    %swap3A = arith.constant 0 : index
    %swap3A_53 = arith.constant 0 : index
    %swap3A_54 = vector.load %arg2[%swap3A, %swap3A_53] : memref<600x608xf32, #tpu.memory_space<vmem>>, vector<600x608xf32>
    tpu.vector_store %arg2[%swap3A, %swap3A_53], %concatenate3A_52 {strides = array<i32>} : memref<600x608xf32, #tpu.memory_space<vmem>>, vector<600x608xf32>,
    return
  }
}

module attributes {stable_mosaic.version = 14 : i64} {
  func.func @_propagate_body(%arg0: memref<600x608xf32, #tpu.memory_space<vmem>>, %arg1: memref<600x16xi32, #tpu.memory_space<vmem>>, %arg2: memref<100x192xf32, #tpu.memory_space<vmem>>, %arg3: memref<500x192xf32, #tpu.memory_space<vmem>>, %arg4: memref<600x192xf32, #tpu.memory_space<vmem>>) attributes {dimension_semantics = [], scalar_prefetch = 0 : i64, scratch_operands = 0 : i64, tpu.core_type = #tpu.core_type<tc>} {
    %get3A = arith.constant 0 : index
    %get3A_0 = arith.constant 0 : index
    %get3A_1 = vector.load %arg0[%get3A, %get3A_0] : memref<600x608xf32, #tpu.memory_space<vmem>>, vector<600x608xf32>
    %slice3A = vector.extract_strided_slice %get3A_1 {offsets = [0, 0], sizes = [600, 600], strides = [1, 1]} : vector<600x608xf32> to vector<600x600xf32>
    %get3A_2 = arith.constant 0 : index
    %get3A_3 = arith.constant 0 : index
    %get3A_4 = vector.load %arg2[%get3A_2, %get3A_3] : memref<100x192xf32, #tpu.memory_space<vmem>>, vector<100x192xf32>
    %get3A_5 = arith.constant 0 : index
    %get3A_6 = arith.constant 0 : index
    %get3A_7 = vector.load %arg3[%get3A_5, %get3A_6] : memref<500x192xf32, #tpu.memory_space<vmem>>, vector<500x192xf32>
    %concatenate3A = tpu.concatenate %get3A_4, %get3A_7 in 0 : vector<100x192xf32>, vector<500x192xf32> -> vector<600x192xf32>
    %get3A_8 = arith.constant 0 : index
    %get3A_9 = arith.constant 0 : index
    %get3A_10 = vector.load %arg1[%get3A_8, %get3A_9] : memref<600x16xi32, #tpu.memory_space<vmem>>, vector<600x16xi32>
    %iota3A = tpu.iota {dimensions = array<i32: 1>} : vector<600x600xi32>
    %broadcast_in_dim3A = arith.constant false
    %broadcast_in_dim3A_11 = vector.broadcast %broadcast_in_dim3A : i1 to vector<600x600xi1>
    %slice3A_12 = vector.extract_strided_slice %get3A_10 {offsets = [0, 6], sizes = [600, 1], strides = [1, 1]} : vector<600x16xi32> to vector<600x1xi32>
    %eq3A = vector.broadcast %slice3A_12 : vector<600x1xi32> to vector<600x600xi32>
    %eq3A_13 = arith.cmpi eq, %eq3A, %iota3A : vector<600x600xi32>
    %or3A = arith.ori %broadcast_in_dim3A_11, %eq3A_13 : vector<600x600xi1>
    %slice3A_14 = vector.extract_strided_slice %get3A_10 {offsets = [0, 7], sizes = [600, 1], strides = [1, 1]} : vector<600x16xi32> to vector<600x1xi32>
    %eq3A_15 = vector.broadcast %slice3A_14 : vector<600x1xi32> to vector<600x600xi32>
    %eq3A_16 = arith.cmpi eq, %eq3A_15, %iota3A : vector<600x600xi32>
    %or3A_17 = arith.ori %or3A, %eq3A_16 : vector<600x600xi1>
    %slice3A_18 = vector.extract_strided_slice %get3A_10 {offsets = [0, 8], sizes = [600, 1], strides = [1, 1]} : vector<600x16xi32> to vector<600x1xi32>
    %eq3A_19 = vector.broadcast %slice3A_18 : vector<600x1xi32> to vector<600x600xi32>
    %eq3A_20 = arith.cmpi eq, %eq3A_19, %iota3A : vector<600x600xi32>
    %or3A_21 = arith.ori %or3A_17, %eq3A_20 : vector<600x600xi1>
    %slice3A_22 = vector.extract_strided_slice %get3A_10 {offsets = [0, 9], sizes = [600, 1], strides = [1, 1]} : vector<600x16xi32> to vector<600x1xi32>
    %eq3A_23 = vector.broadcast %slice3A_22 : vector<600x1xi32> to vector<600x600xi32>
    %eq3A_24 = arith.cmpi eq, %eq3A_23, %iota3A : vector<600x600xi32>
    %or3A_25 = arith.ori %or3A_21, %eq3A_24 : vector<600x600xi1>
    %slice3A_26 = vector.extract_strided_slice %get3A_10 {offsets = [0, 10], sizes = [600, 1], strides = [1, 1]} : vector<600x16xi32> to vector<600x1xi32>
    %eq3A_27 = vector.broadcast %slice3A_26 : vector<600x1xi32> to vector<600x600xi32>
    %eq3A_28 = arith.cmpi eq, %eq3A_27, %iota3A : vector<600x600xi32>
    %or3A_29 = arith.ori %or3A_25, %eq3A_28 : vector<600x600xi1>
    %slice3A_30 = vector.extract_strided_slice %get3A_10 {offsets = [0, 11], sizes = [600, 1], strides = [1, 1]} : vector<600x16xi32> to vector<600x1xi32>
    %eq3A_31 = vector.broadcast %slice3A_30 : vector<600x1xi32> to vector<600x600xi32>
    %eq3A_32 = arith.cmpi eq, %eq3A_31, %iota3A : vector<600x600xi32>
    %or3A_33 = arith.ori %or3A_29, %eq3A_32 : vector<600x600xi1>
    %slice3A_34 = vector.extract_strided_slice %get3A_10 {offsets = [0, 12], sizes = [600, 1], strides = [1, 1]} : vector<600x16xi32> to vector<600x1xi32>
    %eq3A_35 = vector.broadcast %slice3A_34 : vector<600x1xi32> to vector<600x600xi32>
    %eq3A_36 = arith.cmpi eq, %eq3A_35, %iota3A : vector<600x600xi32>
    %or3A_37 = arith.ori %or3A_33, %eq3A_36 : vector<600x600xi1>
    %slice3A_38 = vector.extract_strided_slice %get3A_10 {offsets = [0, 13], sizes = [600, 1], strides = [1, 1]} : vector<600x16xi32> to vector<600x1xi32>
    %eq3A_39 = vector.broadcast %slice3A_38 : vector<600x1xi32> to vector<600x600xi32>
    %eq3A_40 = arith.cmpi eq, %eq3A_39, %iota3A : vector<600x600xi32>
    %or3A_41 = arith.ori %or3A_37, %eq3A_40 : vector<600x600xi1>
    %slice3A_42 = vector.extract_strided_slice %get3A_10 {offsets = [0, 14], sizes = [600, 1], strides = [1, 1]} : vector<600x16xi32> to vector<600x1xi32>
    %eq3A_43 = vector.broadcast %slice3A_42 : vector<600x1xi32> to vector<600x600xi32>
    %eq3A_44 = arith.cmpi eq, %eq3A_43, %iota3A : vector<600x600xi32>
    %or3A_45 = arith.ori %or3A_41, %eq3A_44 : vector<600x600xi1>
    %slice3A_46 = vector.extract_strided_slice %get3A_10 {offsets = [0, 15], sizes = [600, 1], strides = [1, 1]} : vector<600x16xi32> to vector<600x1xi32>
    %eq3A_47 = vector.broadcast %slice3A_46 : vector<600x1xi32> to vector<600x600xi32>
    %eq3A_48 = arith.cmpi eq, %eq3A_47, %iota3A : vector<600x600xi32>
    %or3A_49 = arith.ori %or3A_45, %eq3A_48 : vector<600x600xi1>
    %jit3A = arith.constant 0.000000e+00 : f32
    %broadcast_in_dim3A_50 = vector.broadcast %jit3A : f32 to vector<600x600xf32>
    %select_n3A = arith.select %or3A_49, %slice3A, %broadcast_in_dim3A_50 : vector<600x600xi1>, vector<600x600xf32>
    %transpose3A = tpu.transpose %select_n3A, [1, 0] : vector<600x600xf32> -> vector<600x600xf32>
    %max3A = arith.maximumf %select_n3A, %transpose3A : vector<600x600xf32>
    %reduce_sum3A = arith.constant dense<0.000000e+00> : vector<600xf32>
    %reduce_sum3A_51 = vector.multi_reduction <add>, %max3A, %reduce_sum3A [0] : vector<600x600xf32> to vector<600xf32>
    %add3A = arith.constant 2.22044605E-16 : f32
    %add3A_52 = vector.broadcast %add3A : f32 to vector<600xf32>
    %add3A_53 = arith.addf %reduce_sum3A_51, %add3A_52 : vector<600xf32>
    %div3A = arith.constant 1.000000e+00 : f32
    %div3A_54 = vector.broadcast %div3A : f32 to vector<600xf32>
    %div3A_55 = arith.divf %div3A_54, %add3A_53 : vector<600xf32>
    %sqrt3A = math.sqrt %div3A_55 : vector<600xf32>
    %broadcast_in_dim3A_56 = vector.shape_cast %sqrt3A : vector<600xf32> to vector<600x1xf32>
    %mul3A = vector.broadcast %broadcast_in_dim3A_56 : vector<600x1xf32> to vector<600x600xf32>
    %mul3A_57 = arith.mulf %mul3A, %max3A : vector<600x600xf32>
    %broadcast_in_dim3A_58 = vector.shape_cast %sqrt3A : vector<600xf32> to vector<1x600xf32>
    %mul3A_59 = vector.broadcast %broadcast_in_dim3A_58 : vector<1x600xf32> to vector<600x600xf32>
    %mul3A_60 = arith.mulf %mul3A_57, %mul3A_59 : vector<600x600xf32>
    %dot_general3A = arith.constant dense<0.000000e+00> : vector<600x192xf32>
    %dot_general3A_61 = tpu.matmul %mul3A_60, %concatenate3A, %dot_general3A {dimension_numbers = #tpu.dot_dimension_numbers<[1], [0], [0], [1], [0, 0, 1, 1], [], []>, precision = #tpu.contract_precision<fp32>, transpose_lhs_hint = false} : vector<600x600xf32>, vector<600x192xf32>, vector<600x192xf32> -> vector<600x192xf32>
    %swap3A = arith.constant 0 : index
    %swap3A_62 = arith.constant 0 : index
    %swap3A_63 = vector.load %arg4[%swap3A, %swap3A_62] : memref<600x192xf32, #tpu.memory_space<vmem>>, vector<600x192xf32>
    tpu.vector_store %arg4[%swap3A, %swap3A_62], %dot_general3A_61 {strides = array<i32>} : memref<600x192xf32, #tpu.memory_space<vmem>>, vector<600x192xf32>,
    return
  }
}

</mosaic_0001>

<sc_bundles>
// kernel: kernel.7.cloned.1.call-start
scs
__scs_entry_jumppad:
0x0: {  	(pc) =	sbr.rel $0x88, $3  }
0x1: {  	(tag) =	ssettag $0x0;
	lr =	simm.s32 $0x1  }
0x2: {  	[smem:$0x3F9D] =	sst lr;
	_ =	strace $0xD0000000  }
0x3: {  	_ = 	snop  }
0x4: {  	_ = 	snop  }
0x5: {  	_ = 	snop  }
0x6: {  	_ = 	snop  }
0x7: {  	_ = 	snop  }
__scs_overlays_trampoline_lowered:
0x8: {  	[smem:$0x3FAC] =	sst s0  }
0x9: {  	[smem:$0x3FAD] =	sst s1  }
0xa: {  	[smem:$0x3FAE] =	sst s2  }
0xb: {  	[smem:$0x3FAF] =	sst s3  }
0xc: {  	[smem:$0x3FB0] =	sst s4  }
0xd: {  	[smem:$0x3FB1] =	sst s5  }
0xe: {  	[smem:$0x3FB2] =	sst s6  }
0xf: {  	[smem:$0x3FB3] =	sst s7  }
0x10: {  	[smem:$0x3FB4] =	sst s8  }
0x11: {  	[smem:$0x3FB5] =	sst s9;
	s0 =	simm.s32 @!p0 $0x0  }
0x12: {  	s1 =	sld [smem:$0x3F9B];
	s0 =	simm.s32 @p0 $0x1  }
0x13: {  	[smem:$0x3FB6] =	sst s0;
	s0 =	simm.s32 @!p1 $0x0  }
0x14: {  	s2 =	sld [smem:$0x3F9A];
	s0 =	simm.s32 @p1 $0x1  }
0x15: {  	[smem:$0x3FB7] =	sst s0;
	s0 =	simm.s32 @!p2 $0x0  }
0x16: {  	s3 =	sld [smem:$0x3FDB];
	s0 =	simm.s32 @p2 $0x1  }
0x17: {  	s4 =	simm.s32 $0x1BF5;
	[smem:$0x3FB9] =	sst s0  }
0x18: {  	s0 =	sld [smem:$0x3F9C];
	_ =	swait.ge [sflag:s4], $0x0  }
0x19: {  	s7 =	sld [smem:$0x3F9D]  }
0x1a: {  	s8 =	sadd.s32 $0xFFFFE003, lr  }
0x1b: {  	s9 =	sadd.s32 $0xFFFFFEF7, lr;
	s5 =	simm.s32 $0xFFFFFFFF;
	p2 =	slt.u32 s8, $0xFFFFF086  }
0x1c: {  	p1 =	slt.u32 s9, $0xF7A;
	s5 =	simm.s32 @!p2 $0x0  }
0x1d: {  	s5 =	simm.s32 @p1 $0x1;
	p0 =	seq.s32 s7, s2  }
0x1e: {  	s7 =	smul.u32 @!p0 $0xF7A, s2;
	p2 =	seq.s32 @!p0 s5, $0x0  }
0x1f: {  	s9 =	smul.u32 $0xF7A, s1;
	s8 =	simm.s32 @!p0 $0x1BF5;
	p2 =	por !p2, p0  }
0x20: {  	[sflag:s8] =	ssyncset.s32 @!p0 $0xFFFFF086;
	s6 =	sadd.s32 @!p0 s3, s7;
	s7 =	simm.s32 @!p0 $0x108  }
0x21: {  	s3 =	sadd.s32 s3, s9;
	s6 =	sadd.s32 @!p0 $0x88, s6;
	s7 =	simm.s32 @p2 $0x1082  }
0x22: {  	[simem:s7], [sflag:s8] =	dma.local @!p0 [hbm:s6], $0xF7A  }
0x23: {  	s9 =	sor.u32 $0xD0000000, s2;
	s6 =	simm.s32 $0x108;
	_ =	swait.ge @!p0 [sflag:s8], $0x0  }
0x24: {  	s3 =	sadd.s32 $0x88, s3;
	s6 =	simm.s32 @!p1 $0x1082;
	[sflag:s4] =	ssyncset.s32 $0xFFFFF086  }
0x25: {  	[simem:s6], [sflag:s4] =	dma.local [hbm:s3], $0xF7A  }
0x26: {  	[smem:$0x3F9D] =	sst s1;
	(tag) =	ssettag s2;
	_ =	strace s9  }
0x27: {  	s1 =	sld [smem:$0x3FAD]  }
0x28: {  	s2 =	sld [smem:$0x3FAE]  }
0x29: {  	s4 =	sld [smem:$0x3FB0]  }
0x2a: {  	p0 =	seq.s32 s5, $0x0;
	s5 =	sld [smem:$0x3FB1]  }
0x2b: {  	s6 =	sld [smem:$0x3FB2]  }
0x2c: {  	s7 =	sld [smem:$0x3FB3]  }
0x2d: {  	s3 =	simm.s32 $0x108;
	s8 =	sld [smem:$0x3FB4]  }
0x2e: {  	s3 =	simm.s32 @!p0 $0x1082;
	s9 =	sld [smem:$0x3FB5]  }
0x2f: {  	lr =	sadd.s32 s0, s3;
	s0 =	sld [smem:$0x3FAC]  }
0x30: {  	s3 =	sld [smem:$0x3FAF]  }
0x31: {  	[smem:$0x3FB8] =	sst s10  }
0x32: {  	s10 =	sld [smem:$0x3FB6];
	_ =	sdelay $0x3  }
0x33: {  	p0 =	seq.s32 s10, $0x1;
	s10 =	sld [smem:$0x3FB8];
	_ =	sdelay $0x3  }
0x34: {  	[smem:$0x3FB8] =	sst s10  }
0x35: {  	s10 =	sld [smem:$0x3FB7];
	_ =	sdelay $0x3  }
0x36: {  	p1 =	seq.s32 s10, $0x1;
	s10 =	sld [smem:$0x3FB8];
	_ =	sdelay $0x3  }
0x37: {  	[smem:$0x3FB8] =	sst s10  }
0x38: {  	s10 =	sld [smem:$0x3FB9]  }
0x39: {  	_ = 	snop;
	(pc) =	sbr.ind lr, $3  }
0x3a: {  	_ = 	snop  }
0x3b: {  	_ = 	snop  }
0x3c: {  	p2 =	seq.s32 s10, $0x1;
	s10 =	sld [smem:$0x3FB8]  }
0x3d: {  	_ =	shalt  }
0x3e: {  	_ =	shalt  }
0x3f: {  	_ =	shalt  }
0x40: {  	_ =	shalt  }
0x41: {  	_ =	shalt  }
0x42: {  	_ =	shalt  }
0x43: {  	_ =	shalt  }
0x44: {  	_ =	shalt  }
0x45: {  	_ =	shalt  }
0x46: {  	_ =	shalt  }
0x47: {  	_ =	shalt  }
0x48: {  	_ =	shalt  }
0x49: {  	_ =	shalt  }
0x4a: {  	_ =	shalt  }
0x4b: {  	_ =	shalt  }
0x4c: {  	_ =	shalt  }
0x4d: {  	_ =	shalt  }
0x4e: {  	_ =	shalt  }
0x4f: {  	_ =	shalt  }
0x50: {  	_ =	shalt  }
0x51: {  	_ =	shalt  }
0x52: {  	_ =	shalt  }
0x53: {  	_ =	shalt  }
0x54: {  	_ =	shalt  }
0x55: {  	_ =	shalt  }
0x56: {  	_ =	shalt  }
0x57: {  	_ =	shalt  }
0x58: {  	_ =	shalt  }
0x59: {  	_ =	shalt  }
0x5a: {  	_ =	shalt  }
0x5b: {  	_ =	shalt  }
0x5c: {  	_ =	shalt  }
0x5d: {  	_ =	shalt  }
0x5e: {  	_ =	shalt  }
0x5f: {  	_ =	shalt  }
0x60: {  	_ =	shalt  }
0x61: {  	_ =	shalt  }
0x62: {  	_ =	shalt  }
0x63: {  	_ =	shalt  }
0x64: {  	_ =	shalt  }
0x65: {  	_ =	shalt  }
0x66: {  	_ =	shalt  }
0x67: {  	_ =	shalt  }
0x68: {  	_ =	shalt  }
0x69: {  	_ =	shalt  }
0x6a: {  	_ =	shalt  }
0x6b: {  	_ =	shalt  }
0x6c: {  	_ =	shalt  }
0x6d: {  	_ =	shalt  }
0x6e: {  	_ =	shalt  }
0x6f: {  	_ =	shalt  }
0x70: {  	_ =	shalt  }
0x71: {  	_ =	shalt  }
0x72: {  	_ =	shalt  }
0x73: {  	_ =	shalt  }
0x74: {  	_ =	shalt  }
0x75: {  	_ =	shalt  }
0x76: {  	_ =	shalt  }
0x77: {  	_ =	shalt  }
0x78: {  	_ =	shalt  }
0x79: {  	_ =	shalt  }
0x7a: {  	_ =	shalt  }
0x7b: {  	_ =	shalt  }
0x7c: {  	_ =	shalt  }
0x7d: {  	_ =	shalt  }
0x7e: {  	_ =	shalt  }
0x7f: {  	_ =	shalt  }
0x80: {  	_ =	shalt  }
0x81: {  	_ =	shalt  }
0x82: {  	_ =	shalt  }
0x83: {  	_ =	shalt  }
0x84: {  	_ =	shalt  }
0x85: {  	_ =	shalt  }
0x86: {  	_ =	shalt  }
0x87: {  	_ =	shalt  }
.Lfunc_end0:
.L_simem_size_0:
called_computation_lowered:
.L_overlay_start_0:
0x88: {  	s2 =	sld [smem:$0x3FD9]  }
0x89: {  	s3 =	sld [smem:$0x3FFE];
	_ =	sdelay $0x1  }
0x8a: {  	s1 =	srdreg.scid  }
0x8b: {  	s0 =	sand.u32 $0x1, s1  }
0x8c: {  	s17 =	sshll.u32 s0, $0xA;
	s2 =	sadd.s32 s3, s2  }
0x8d: {  	s2 =	sadd.s32 s2, s17  }
0x8e: {  	[smem:$0x3FC4] =	sst s2  }
0x8f: {  	_ = 	snop  }
0x90: {  	s2 =	sld [smem:$0x3FD0];
	(tm) =	ssettm $0x1  }
0x91: {  	s18 =	sld [smem:$0x3FFB];
	_ =	sdelay $0x3  }
0x92: {  	_ =	strace s18  }
0x93: {  	s3 =	sld [smem:$0x3FFC];
	_ =	sdelay $0x3  }
0x94: {  	_ =	strace s3  }
0x95: {  	s3 =	sld [smem:$0x3FFD];
	_ =	sdelay $0x3  }
0x96: {  	_ =	strace s3  }
0x97: {  	_ =	strace $0x8FFFFFFF  }
0x98: {  	s19 =	sld [smem:$0x3FDB];
	_ =	sdelay $0x1  }
0x99: {  	s4 =	simm.s32 $_scs_section_size  }
0x9a: {  	s5 =	simm.s32 $_size__tile_overlayer_lowered;
	s6 =	simm.s32 $_tile_overlayer_lowered  }
0x9b: {  	s22 =	simm.s32 $0x1BFF;
	s21 =	sshll.u32 s6, $0x1;
	s3 =	sadd.s32 s4, s19  }
0x9c: {  	s7 =	simm.s32 $0x0;
	s20 =	sshll.u32 s5, $0x1;
	s5 =	sadd.s32 s21, s3  }
0x9d: {  	[timem:s7], [sflag:s22] =	dma.local [hbm:s5], s20  }
0x9e: {  	_ =	swait.ge [sflag:s22], s20  }
0x9f: {  	s4 =	ssub.s32 $0x0, s20;
	[sflag:s22] =	ssyncset.done $0x0  }
0xa0: {  	[sflag:s22] =	ssyncadd.s32 s4;
	_ =	sdelay $0x1  }
0xa1: {  	s23 =	simm.s32 $0x1B8B  }
0xa2: {  	_ =	swait.ge [sflag:s23], $0x1  }
0xa3: {  	[sflag:s23] =	ssyncset.done $0x0  }
0xa4: {  	s25 =	simm.s32 $0x1B8E;
	s24 =	sld [smem:$0x3FFE];
	[sflag:s23] =	ssyncadd.s32 $0xFFFFFFFF  }
0xa5: {  	s26 =	simm.s32 $execute0_lowered;
	[smem:$0x3FD2] =	sst s25  }
0xa6: {  	s5 =	sshll.u32 s26, $0x1;
	_ =	strace $0x80000046;
	[dreg:$0x1] =	wrdreg $0xFFFFFFFF  }
0xa7: {  	s28 =	simm.s32 $_size_execute0_lowered;
	s3 =	sadd.s32 s3, s5;
	[dreg:$0x0] =	wrdreg $0x0  }
0xa8: {  	s5 =	sshll.u32 s28, $0x1;
	[dreg:$0x2] =	wrdreg s3  }
0xa9: {  	[dreg:$0x3] =	wrdreg s5  }
0xaa: {  	[dreg:$0x4] =	wrdreg $0xC0  }
0xab: {  	_ =	task [dreg:s7], $0x5FFFF  }
0xac: {  	[dreg:$0x1] =	wrdreg $0xFFFFFFFF  }
0xad: {  	[dreg:$0x0] =	wrdreg $0x60  }
0xae: {  	[dreg:$0x2] =	wrdreg s24  }
0xaf: {  	[dreg:$0x3] =	wrdreg s2  }
0xb0: {  	[dreg:$0x4] =	wrdreg $0x9  }
0xb1: {  	_ =	task.clear_ibuf [dreg:s7], $0x5FFFF;
	_ =	strace $0x90000046  }
0xb2: {  	s29 =	simm.s32 $0x9;
	_ =	strace $0x80000048  }
0xb3: {  	_ =	swait.ge [sflag:s29], $0x1  }
0xb4: {  	[sflag:s29] =	ssyncadd.s32 $0xFFFFFFFF  }
0xb5: {  	_ =	strace $0x90000048  }
0xb6: {  	_ =	sfence  }
0xb7: {  	s30 =	sld [smem:$0x0];
	_ =	sdelay $0x2  }
0xb8: {  	s31 =	sshll.u32 s1, $0xD;
	s1 =	sshrl.u32 s1, $0x2  }
0xb9: {  	s3 =	sand.u32 $0x4000, s31;
	s1 =	sadd.s32 s1, s30  }
0xba: {  	s0 =	sor.u32 s3, s0;
	s1 =	sshll.u32 s1, $0x11  }
0xbb: {  	s0 =	sor.u32 s1, s0  }
0xbc: {  	s0 =	sadd.s32 $0x8F2B, s0  }
0xbd: {  	[sflag:s0] =	ssyncadd.remote.s32 $0x1  }
0xbe: {  	_ =	sfence.sel $0xFFFF  }
0xbf: {  	[dreg:$0x0] =	wrdreg $0xFFFFFFFF;
	(pc) =	sbr.abs _section_cstart, $3  }
0xc0: {  	[dreg:$0x1] =	wrdreg $0xFFFFFFFF  }
0xc1: {  	_ =	task.clear_ibuf [dreg:s7], $0x2FFFF;
	_ =	strace $0x9FFFFFFF  }
0xc2: {  	(tm) =	ssettm $0x7FFFFFFF  }
0xc3: {  	_ =	shalt  }
tec
execute0_lowered:
.L_overlay_start_1:
0x0: {  	(tag) =	ssettag $0x1  }
0x1: {  	s3 =	rddreg [dreg:$0x0];
	s1 =	srdreg.scid  }
0x2: {  	s0 =	stileid.u32;
	s7 =	rddreg [dreg:$0x1];
	s2 =	simm.s32 $0x0  }
0x3: {  	s15 =	simm.s32 $0x2;
	s16 =	simm.s32 $0x500;
	s17 =	simm.s32 $0x3  }
0x4: {  	v0 =	vlaneseq.u32;
	s18 =	simm.s32 $0x0;
	s8 =	sand.u32 $0x1, s1;
	s13 =	smul.u32 $0x1300, s0  }
0x5: {  	s4 =	sshll.u32 s0, $0x1;
	s1 =	rddreg [dreg:$0x2];
	v1 =	vor.u32 $0x10, v0;
	s14 =	smul.u32 $0x26, s0  }
0x6: {  	[smem:$0x7FF] =	sst s2;
	v2 =	vor.u32 $0x20, v0;
	v3 =	vor.u32 $0x30, v0;
	v4 =	vor.u32 $0x40, v0;
	s4 =	sor.u32 s8, s4;
	s29 =	smul.u32 $0x980, s8  }
0x7: {  	s3 =	sadd.s32 $0x1200, s3;
	v5 =	vor.u32 $0x50, v0;
	v6 =	vor.u32 $0x60, v0;
	v7 =	vor.u32 $0x70, v0;
	s6 =	ssub.s32 $0x2, s8;
	s5 =	smul.u32 $0x13, s4  }
0x8: {  	v8 =	vor.u32 $0x80, v0;
	v9 =	vor.u32 $0x90, v0;
	v10 =	vor.u32 $0xA0, v0;
	_ =	strace $0x80000047;
	s9 =	sshrl.u32 s6, $0x1;
	s11 =	smul.u32 $0x180, s4  }
0x9: {  	v11 =	vor.u32 $0xB0, v0;
	v12 =	vor.u32 $0xC0, v0;
	v13 =	vor.u32 $0xD0, v0;
	s31 =	smul.u32 $0x13, s8;
	s9 =	ssub.s32 s6, s9;
	s10 =	sshrl.u32 s5, $0x3  }
0xa: {  	v14 =	vor.u32 $0xE0, v0;
	v15 =	vor.u32 $0xF0, v0;
	v16 =	vor.u32 $0x100, v0;
	s25 =	sadd.s32 $0x1, s5;
	s5 =	ssub.s32 $0x258, s5;
	s28 =	sand.u32 $0x380, s11  }
0xb: {  	v17 =	vor.u32 $0x110, v0;
	v18 =	vor.u32 $0x120, v0;
	v19 =	vor.u32 $0x130, v0;
	s7 =	sadd.s32 s7, s11;
	s24 =	smul.u32 $0x1400, s10;
	s12 =	sshrl.u32 s25, $0x3  }
0xc: {  	v20 =	vor.u32 $0x140, v0;
	v21 =	vor.u32 $0x150, v0;
	v22 =	vor.u32 $0x160, v0;
	s8 =	smax.u32 s9, $0x1;
	s9 =	sadd.s32 s29, s13;
	s26 =	smul.u32 $0x1400, s12  }
.Ltmp0:
0xd: {  	v23 =	vor.u32 $0x170, v0;
	v24 =	vor.u32 $0x180, v0;
	v25 =	vor.u32 $0x190, v0;
	s11 =	simm.s32 $0x80;
	s10 =	sshll.u32 s25, $0x7;
	(pc) =	sbr.rel .LBB2_1-.Ltmp0, $4  }
0xe: {  	v26 =	vor.u32 $0x1A0, v0;
	v27 =	vor.u32 $0x1B0, v0;
	v28 =	vor.u32 $0x1C0, v0;
	s13 =	simm.s32 $0x280;
	s4 =	smin.u32 s5, $0x13;
	s10 =	sand.u32 $0x380, s10  }
0xf: {  	v29 =	vor.u32 $0x1D0, v0;
	v30 =	vor.u32 $0x1E0, v0;
	v31 =	vor.u32 $0x1F0, v0;
	s12 =	simm.s32 $0x400;
	s6 =	sor.u32 s28, s24;
	s5 =	sor.u32 s10, s26  }
0x10: {  	v32 =	vor.u32 $0x200, v0;
	v33 =	vor.u32 $0x210, v0;
	v34 =	vor.u32 $0x220, v0;
	s6 =	sshrl.u32 s6, $0x3;
	s10 =	sadd.s32 s31, s14;
	s30 =	sshrl.u32 s5, $0x3  }
0x11: {  	v35 =	vor.u32 $0x230, v0;
	v36 =	vor.u32 $0x240, v0;
	v37 =	vor.u32 $0x250, v0;
	s14 =	simm.s32 $0x1;
	s5 =	sadd.s32 s3, s6;
	s6 =	sadd.s32 s3, s30  }
.LBB2_7:
0x12: {  	s18 =	sadd.s32 $0x1, s18  }
0x13: {  	p0 =	sne.s32 s18, s8  }
.Ltmp1:
0x14: {  	_ = 	snop;
	(pc) =	sbr.rel @!p0 .LBB2_8-.Ltmp1, $4  }
0x15: {  	[hbm4b:s7+s2] =	stream.linear.scatter [tilespmem:s16], [sflag:$0x3], $0x980, $0x38;
	[tilespmem:$0x1100] =	vst v63  }
0x16: {  	_ =	swait.ge [sflag:s17], $0x980  }
0x17: {  	[sflag:s17] =	ssyncset.done $0x0  }
0x18: {  	[sflag:s17] =	ssyncadd.s32 $0xFFFFF680  }
.LBB2_1:
.Ltmp2:
0x19: {  	(pc) =	sbr.rel .LBB2_2-.Ltmp2, $4  }
0x1a: {  	_ = 	snop  }
0x1b: {  	[tilespmem:s2], [sflag:$0x1] =	stream.strided.gather [hbm4b:s5+s11], $0x280, s12, s11, $0x38;
	[tilespmem:$0x1100] =	vst v63  }
0x1c: {  	s19 =	simm.s32 $0x580;
	s20 =	smov.u32 s9;
	s21 =	simm.s32 $0x0  }
0x1d: {  	[tilespmem:s13], [sflag:$0x2] =	stream.strided.gather [hbm4b:s6+s11], $0x280, s12, s11, $0x38;
	[tilespmem:$0x1100] =	vst v63  }
.LBB2_6:
0x1e: {  	s21 =	sadd.s32 $0x2, s21  }
0x1f: {  	p0 =	sne.s32 s21, $0x14  }
.Ltmp3:
0x20: {  	_ = 	snop;
	(pc) =	sbr.rel @!p0 .LBB2_7-.Ltmp3, $2  }
0x21: {  	_ =	sdelay $0x2  }
0x22: {  	s20 =	sadd.s32 $0x100, s20;
	s19 =	sadd.s32 $0x100, s19  }
.LBB2_2:
0x23: {  	p0 =	sge.u32 s21, s4  }
.Ltmp4:
0x24: {  	_ = 	snop;
	(pc) =	sbr.rel @p0 .LBB2_4-.Ltmp4, $1  }
0x25: {  	_ =	sdelay $0x3  }
0x26: {  	_ =	swait.ge [sflag:s14], $0x280  }
0x27: {  	[sflag:s14] =	ssyncset.done $0x0  }
0x28: {  	[sflag:s14] =	ssyncadd.s32 $0xFFFFFD80  }
0x29: {  	v38 =	vld [tilespmem:$0x0]  }
0x2a: {  	v39 =	vld [tilespmem:$0x10];
	_ =	sdelay $0x3  }
0x2b: {  	(xrf1) =	vsort.ascd.msk.f32 $0xffff, v38, v0  }
0x2c: {  	(xrf1) =	vsort.dscd.msk.f32 $0xffff, v39, v1;
	_ =	sdelay $0xc  }
0x2d: {  	v40 =	vld [tilespmem:$0x20];
	v38, v52, _ =	vpop (xrf1)  }
0x2e: {  	v41, v42, _ =	vpop (xrf1)  }
0x2f: {  	vm0 =	vge.f32 v38, v41  }
0x30: {  	v38 =	vmax.f32 v38, v41;
	v39 =	vsel vm0, v52, v42  }
0x31: {  	(xrf1) =	vsort.ascd.msk.f32 $0xffff, v38, v39  }
0x32: {  	(xrf1) =	vsort.dscd.msk.f32 $0xffff, v40, v2;
	_ =	sdelay $0xc  }
0x33: {  	v53 =	vld [tilespmem:$0x30];
	v38, v39, _ =	vpop (xrf1)  }
0x34: {  	v54, v55, _ =	vpop (xrf1)  }
0x35: {  	vm4 =	vge.f32 v38, v54  }
0x36: {  	v38 =	vmax.f32 v38, v54;
	v39 =	vsel vm4, v39, v55  }
0x37: {  	(xrf1) =	vsort.ascd.msk.f32 $0xffff, v38, v39  }
0x38: {  	(xrf1) =	vsort.dscd.msk.f32 $0xffff, v53, v3;
	_ =	sdelay $0xc  }
0x39: {  	v56 =	vld [tilespmem:$0x40];
	v38, v39, _ =	vpop (xrf1)  }
0x3a: {  	v57, v58, _ =	vpop (xrf1)  }
0x3b: {  	vm5 =	vge.f32 v38, v57  }
0x3c: {  	v38 =	vmax.f32 v38, v57;
	v39 =	vsel vm5, v39, v58  }
0x3d: {  	(xrf1) =	vsort.ascd.msk.f32 $0xffff, v38, v39  }
0x3e: {  	(xrf1) =	vsort.dscd.msk.f32 $0xffff, v56, v4;
	_ =	sdelay $0xc  }
0x3f: {  	v59 =	vld [tilespmem:$0x50];
	v38, v39, _ =	vpop (xrf1)  }
0x40: {  	v60, v61, _ =	vpop (xrf1)  }
0x41: {  	vm6 =	vge.f32 v38, v60  }
0x42: {  	v38 =	vmax.f32 v38, v60;
	v39 =	vsel vm6, v39, v61  }
0x43: {  	(xrf1) =	vsort.ascd.msk.f32 $0xffff, v38, v39  }
0x44: {  	(xrf1) =	vsort.dscd.msk.f32 $0xffff, v59, v5;
	_ =	sdelay $0xc  }
0x45: {  	v62 =	vld [tilespmem:$0x60];
	v38, v39, _ =	vpop (xrf1)  }
0x46: {  	v63, v45, _ =	vpop (xrf1)  }
0x47: {  	vm7 =	vge.f32 v38, v63  }
0x48: {  	v38 =	vmax.f32 v38, v63;
	v39 =	vsel vm7, v39, v45  }
0x49: {  	(xrf1) =	vsort.ascd.msk.f32 $0xffff, v38, v39  }
0x4a: {  	(xrf1) =	vsort.dscd.msk.f32 $0xffff, v62, v6;
	_ =	sdelay $0xc  }
0x4b: {  	v46 =	vld [tilespmem:$0x70];
	v38, v39, _ =	vpop (xrf1)  }
0x4c: {  	v47, v48, _ =	vpop (xrf1)  }
0x4d: {  	vm8 =	vge.f32 v38, v47  }
0x4e: {  	v38 =	vmax.f32 v38, v47;
	v39 =	vsel vm8, v39, v48  }
0x4f: {  	(xrf1) =	vsort.ascd.msk.f32 $0xffff, v38, v39  }
0x50: {  	(xrf1) =	vsort.dscd.msk.f32 $0xffff, v46, v7;
	_ =	sdelay $0xc  }
0x51: {  	v49 =	vld [tilespmem:$0x80];
	v38, v39, _ =	vpop (xrf1)  }
0x52: {  	v50, v51, _ =	vpop (xrf1)  }
0x53: {  	vm9 =	vge.f32 v38, v50  }
0x54: {  	v38 =	vmax.f32 v38, v50;
	v39 =	vsel vm9, v39, v51  }
0x55: {  	(xrf1) =	vsort.ascd.msk.f32 $0xffff, v38, v39  }
0x56: {  	(xrf1) =	vsort.dscd.msk.f32 $0xffff, v49, v8;
	_ =	sdelay $0xc  }
0x57: {  	v52 =	vld [tilespmem:$0x90];
	v38, v39, _ =	vpop (xrf1)  }
0x58: {  	v53, v54, _ =	vpop (xrf1)  }
0x59: {  	vm10 =	vge.f32 v38, v53  }
0x5a: {  	v38 =	vmax.f32 v38, v53;
	v39 =	vsel vm10, v39, v54  }
0x5b: {  	(xrf1) =	vsort.ascd.msk.f32 $0xffff, v38, v39  }
0x5c: {  	(xrf1) =	vsort.dscd.msk.f32 $0xffff, v52, v9;
	_ =	sdelay $0xc  }
0x5d: {  	v55 =	vld [tilespmem:$0xA0];
	v38, v39, _ =	vpop (xrf1)  }
0x5e: {  	v56, v57, _ =	vpop (xrf1)  }
0x5f: {  	vm11 =	vge.f32 v38, v56  }
0x60: {  	v38 =	vmax.f32 v38, v56;
	v39 =	vsel vm11, v39, v57  }
0x61: {  	(xrf1) =	vsort.ascd.msk.f32 $0xffff, v38, v39  }
0x62: {  	(xrf1) =	vsort.dscd.msk.f32 $0xffff, v55, v10;
	_ =	sdelay $0xc  }
0x63: {  	v58 =	vld [tilespmem:$0xB0];
	v38, v39, _ =	vpop (xrf1)  }
0x64: {  	v59, v60, _ =	vpop (xrf1)  }
0x65: {  	vm12 =	vge.f32 v38, v59  }
0x66: {  	v38 =	vmax.f32 v38, v59;
	v39 =	vsel vm12, v39, v60  }
0x67: {  	(xrf1) =	vsort.ascd.msk.f32 $0xffff, v38, v39  }
0x68: {  	(xrf1) =	vsort.dscd.msk.f32 $0xffff, v58, v11;
	_ =	sdelay $0xc  }
0x69: {  	v61 =	vld [tilespmem:$0xC0];
	v38, v39, _ =	vpop (xrf1)  }
0x6a: {  	v62, v63, _ =	vpop (xrf1)  }
0x6b: {  	vm13 =	vge.f32 v38, v62  }
0x6c: {  	v38 =	vmax.f32 v38, v62;
	v39 =	vsel vm13, v39, v63  }
0x6d: {  	(xrf1) =	vsort.ascd.msk.f32 $0xffff, v38, v39  }
0x6e: {  	(xrf1) =	vsort.dscd.msk.f32 $0xffff, v61, v12;
	_ =	sdelay $0xc  }
0x6f: {  	v45 =	vld [tilespmem:$0xD0];
	v38, v39, _ =	vpop (xrf1)  }
0x70: {  	v46, v47, _ =	vpop (xrf1)  }
0x71: {  	vm14 =	vge.f32 v38, v46  }
0x72: {  	v38 =	vmax.f32 v38, v46;
	v39 =	vsel vm14, v39, v47  }
0x73: {  	(xrf1) =	vsort.ascd.msk.f32 $0xffff, v38, v39  }
0x74: {  	(xrf1) =	vsort.dscd.msk.f32 $0xffff, v45, v13;
	_ =	sdelay $0xc  }
0x75: {  	v48 =	vld [tilespmem:$0xE0];
	v38, v39, _ =	vpop (xrf1)  }
0x76: {  	v49, v50, _ =	vpop (xrf1)  }
0x77: {  	vm15 =	vge.f32 v38, v49  }
0x78: {  	v38 =	vmax.f32 v38, v49;
	v39 =	vsel vm15, v39, v50  }
0x79: {  	(xrf1) =	vsort.ascd.msk.f32 $0xffff, v38, v39  }
0x7a: {  	(xrf1) =	vsort.dscd.msk.f32 $0xffff, v48, v14;
	_ =	sdelay $0xc  }
0x7b: {  	v51 =	vld [tilespmem:$0xF0];
	v38, v39, _ =	vpop (xrf1)  }
0x7c: {  	v52, v53, _ =	vpop (xrf1)  }
0x7d: {  	vm4 =	vge.f32 v38, v52  }
0x7e: {  	v38 =	vmax.f32 v38, v52;
	v39 =	vsel vm4, v39, v53  }
0x7f: {  	(xrf1) =	vsort.ascd.msk.f32 $0xffff, v38, v39  }
0x80: {  	(xrf1) =	vsort.dscd.msk.f32 $0xffff, v51, v15;
	_ =	sdelay $0xc  }
0x81: {  	v54 =	vld [tilespmem:$0x100];
	v38, v39, _ =	vpop (xrf1)  }
0x82: {  	v55, v56, _ =	vpop (xrf1)  }
0x83: {  	vm5 =	vge.f32 v38, v55  }
0x84: {  	v38 =	vmax.f32 v38, v55;
	v39 =	vsel vm5, v39, v56  }
0x85: {  	(xrf1) =	vsort.ascd.msk.f32 $0xffff, v38, v39  }
0x86: {  	(xrf1) =	vsort.dscd.msk.f32 $0xffff, v54, v16;
	_ =	sdelay $0xc  }
0x87: {  	v57 =	vld [tilespmem:$0x110];
	v38, v39, _ =	vpop (xrf1)  }
0x88: {  	v58, v59, _ =	vpop (xrf1)  }
0x89: {  	vm6 =	vge.f32 v38, v58  }
0x8a: {  	v38 =	vmax.f32 v38, v58;
	v39 =	vsel vm6, v39, v59  }
0x8b: {  	(xrf1) =	vsort.ascd.msk.f32 $0xffff, v38, v39  }
0x8c: {  	(xrf1) =	vsort.dscd.msk.f32 $0xffff, v57, v17;
	_ =	sdelay $0xc  }
0x8d: {  	v60 =	vld [tilespmem:$0x120];
	v38, v39, _ =	vpop (xrf1)  }
0x8e: {  	v61, v62, _ =	vpop (xrf1)  }
0x8f: {  	vm7 =	vge.f32 v38, v61  }
0x90: {  	v38 =	vmax.f32 v38, v61;
	v39 =	vsel vm7, v39, v62  }
0x91: {  	(xrf1) =	vsort.ascd.msk.f32 $0xffff, v38, v39  }
0x92: {  	(xrf1) =	vsort.dscd.msk.f32 $0xffff, v60, v18;
	_ =	sdelay $0xc  }
0x93: {  	v63 =	vld [tilespmem:$0x130];
	v38, v39, _ =	vpop (xrf1)  }
0x94: {  	v45, v46, _ =	vpop (xrf1)  }
0x95: {  	vm8 =	vge.f32 v38, v45  }
0x96: {  	v38 =	vmax.f32 v38, v45;
	v39 =	vsel vm8, v39, v46  }
0x97: {  	(xrf1) =	vsort.ascd.msk.f32 $0xffff, v38, v39  }
0x98: {  	(xrf1) =	vsort.dscd.msk.f32 $0xffff, v63, v19;
	_ =	sdelay $0xc  }
0x99: {  	v47 =	vld [tilespmem:$0x140];
	v38, v39, _ =	vpop (xrf1)  }
0x9a: {  	v48, v49, _ =	vpop (xrf1)  }
0x9b: {  	vm9 =	vge.f32 v38, v48  }
0x9c: {  	v38 =	vmax.f32 v38, v48;
	v39 =	vsel vm9, v39, v49  }
0x9d: {  	(xrf1) =	vsort.ascd.msk.f32 $0xffff, v38, v39  }
0x9e: {  	(xrf1) =	vsort.dscd.msk.f32 $0xffff, v47, v20;
	_ =	sdelay $0xc  }
0x9f: {  	v50 =	vld [tilespmem:$0x150];
	v38, v39, _ =	vpop (xrf1)  }
0xa0: {  	v51, v52, _ =	vpop (xrf1)  }
0xa1: {  	vm10 =	vge.f32 v38, v51  }
0xa2: {  	v38 =	vmax.f32 v38, v51;
	v39 =	vsel vm10, v39, v52  }
0xa3: {  	(xrf1) =	vsort.ascd.msk.f32 $0xffff, v38, v39  }
0xa4: {  	(xrf1) =	vsort.dscd.msk.f32 $0xffff, v50, v21;
	_ =	sdelay $0xc  }
0xa5: {  	v53 =	vld [tilespmem:$0x160];
	v38, v39, _ =	vpop (xrf1)  }
0xa6: {  	v54, v55, _ =	vpop (xrf1)  }
0xa7: {  	vm11 =	vge.f32 v38, v54  }
0xa8: {  	v38 =	vmax.f32 v38, v54;
	v39 =	vsel vm11, v39, v55  }
0xa9: {  	(xrf1) =	vsort.ascd.msk.f32 $0xffff, v38, v39  }
0xaa: {  	(xrf1) =	vsort.dscd.msk.f32 $0xffff, v53, v22;
	_ =	sdelay $0xc  }
0xab: {  	v56 =	vld [tilespmem:$0x170];
	v38, v39, _ =	vpop (xrf1)  }
0xac: {  	v57, v58, _ =	vpop (xrf1)  }
0xad: {  	vm12 =	vge.f32 v38, v57  }
0xae: {  	v38 =	vmax.f32 v38, v57;
	v39 =	vsel vm12, v39, v58  }
0xaf: {  	(xrf1) =	vsort.ascd.msk.f32 $0xffff, v38, v39  }
0xb0: {  	(xrf1) =	vsort.dscd.msk.f32 $0xffff, v56, v23;
	_ =	sdelay $0xc  }
0xb1: {  	v59 =	vld [tilespmem:$0x180];
	v38, v39, _ =	vpop (xrf1)  }
0xb2: {  	v60, v61, _ =	vpop (xrf1)  }
0xb3: {  	vm13 =	vge.f32 v38, v60  }
0xb4: {  	v38 =	vmax.f32 v38, v60;
	v39 =	vsel vm13, v39, v61  }
0xb5: {  	(xrf1) =	vsort.ascd.msk.f32 $0xffff, v38, v39  }
0xb6: {  	(xrf1) =	vsort.dscd.msk.f32 $0xffff, v59, v24;
	_ =	sdelay $0xc  }
0xb7: {  	v62 =	vld [tilespmem:$0x190];
	v38, v39, _ =	vpop (xrf1)  }
0xb8: {  	v63, v45, _ =	vpop (xrf1)  }
0xb9: {  	vm14 =	vge.f32 v38, v63  }
0xba: {  	v38 =	vmax.f32 v38, v63;
	v39 =	vsel vm14, v39, v45  }
0xbb: {  	(xrf1) =	vsort.ascd.msk.f32 $0xffff, v38, v39  }
0xbc: {  	(xrf1) =	vsort.dscd.msk.f32 $0xffff, v62, v25;
	_ =	sdelay $0xc  }
0xbd: {  	v46 =	vld [tilespmem:$0x1A0];
	v38, v39, _ =	vpop (xrf1)  }
0xbe: {  	v47, v48, _ =	vpop (xrf1)  }
0xbf: {  	vm15 =	vge.f32 v38, v47  }
0xc0: {  	v38 =	vmax.f32 v38, v47;
	v39 =	vsel vm15, v39, v48  }
0xc1: {  	(xrf1) =	vsort.ascd.msk.f32 $0xffff, v38, v39  }
0xc2: {  	(xrf1) =	vsort.dscd.msk.f32 $0xffff, v46, v26;
	_ =	sdelay $0xc  }
0xc3: {  	v49 =	vld [tilespmem:$0x1B0];
	v38, v39, _ =	vpop (xrf1)  }
0xc4: {  	v50, v51, _ =	vpop (xrf1)  }
0xc5: {  	vm4 =	vge.f32 v38, v50  }
0xc6: {  	v38 =	vmax.f32 v38, v50;
	v39 =	vsel vm4, v39, v51  }
0xc7: {  	(xrf1) =	vsort.ascd.msk.f32 $0xffff, v38, v39  }
0xc8: {  	(xrf1) =	vsort.dscd.msk.f32 $0xffff, v49, v27;
	_ =	sdelay $0xc  }
0xc9: {  	v52 =	vld [tilespmem:$0x1C0];
	v38, v39, _ =	vpop (xrf1)  }
0xca: {  	v53, v54, _ =	vpop (xrf1)  }
0xcb: {  	vm5 =	vge.f32 v38, v53  }
0xcc: {  	v38 =	vmax.f32 v38, v53;
	v39 =	vsel vm5, v39, v54  }
0xcd: {  	(xrf1) =	vsort.ascd.msk.f32 $0xffff, v38, v39  }
0xce: {  	(xrf1) =	vsort.dscd.msk.f32 $0xffff, v52, v28;
	_ =	sdelay $0xc  }
0xcf: {  	v55 =	vld [tilespmem:$0x1D0];
	v38, v39, _ =	vpop (xrf1)  }
0xd0: {  	v56, v57, _ =	vpop (xrf1)  }
0xd1: {  	vm6 =	vge.f32 v38, v56  }
0xd2: {  	v38 =	vmax.f32 v38, v56;
	v39 =	vsel vm6, v39, v57  }
0xd3: {  	(xrf1) =	vsort.ascd.msk.f32 $0xffff, v38, v39  }
0xd4: {  	(xrf1) =	vsort.dscd.msk.f32 $0xffff, v55, v29;
	_ =	sdelay $0xc  }
0xd5: {  	v58 =	vld [tilespmem:$0x1E0];
	v38, v39, _ =	vpop (xrf1)  }
0xd6: {  	v59, v60, _ =	vpop (xrf1)  }
0xd7: {  	vm7 =	vge.f32 v38, v59  }
0xd8: {  	v38 =	vmax.f32 v38, v59;
	v39 =	vsel vm7, v39, v60  }
0xd9: {  	(xrf1) =	vsort.ascd.msk.f32 $0xffff, v38, v39  }
0xda: {  	(xrf1) =	vsort.dscd.msk.f32 $0xffff, v58, v30;
	_ =	sdelay $0xc  }
0xdb: {  	v61 =	vld [tilespmem:$0x1F0];
	v38, v39, _ =	vpop (xrf1)  }
0xdc: {  	v62, v63, _ =	vpop (xrf1)  }
0xdd: {  	vm8 =	vge.f32 v38, v62  }
0xde: {  	v38 =	vmax.f32 v38, v62;
	v39 =	vsel vm8, v39, v63  }
0xdf: {  	(xrf1) =	vsort.ascd.msk.f32 $0xffff, v38, v39  }
0xe0: {  	(xrf1) =	vsort.dscd.msk.f32 $0xffff, v61, v31;
	_ =	sdelay $0xc  }
0xe1: {  	v45 =	vld [tilespmem:$0x200];
	v38, v39, _ =	vpop (xrf1)  }
0xe2: {  	v46, v47, _ =	vpop (xrf1)  }
0xe3: {  	vm9 =	vge.f32 v38, v46  }
0xe4: {  	v38 =	vmax.f32 v38, v46;
	v39 =	vsel vm9, v39, v47  }
0xe5: {  	(xrf1) =	vsort.ascd.msk.f32 $0xffff, v38, v39  }
0xe6: {  	(xrf1) =	vsort.dscd.msk.f32 $0xffff, v45, v32;
	_ =	sdelay $0xc  }
0xe7: {  	v48 =	vld [tilespmem:$0x210];
	v38, v39, _ =	vpop (xrf1)  }
0xe8: {  	v49, v50, _ =	vpop (xrf1)  }
0xe9: {  	vm10 =	vge.f32 v38, v49  }
0xea: {  	v38 =	vmax.f32 v38, v49;
	v39 =	vsel vm10, v39, v50  }
0xeb: {  	(xrf1) =	vsort.ascd.msk.f32 $0xffff, v38, v39  }
0xec: {  	(xrf1) =	vsort.dscd.msk.f32 $0xffff, v48, v33;
	_ =	sdelay $0xc  }
0xed: {  	v51 =	vld [tilespmem:$0x220];
	v38, v39, _ =	vpop (xrf1)  }
0xee: {  	v52, v53, _ =	vpop (xrf1)  }
0xef: {  	vm11 =	vge.f32 v38, v52  }
0xf0: {  	v38 =	vmax.f32 v38, v52;
	v39 =	vsel vm11, v39, v53  }
0xf1: {  	(xrf1) =	vsort.ascd.msk.f32 $0xffff, v38, v39  }
0xf2: {  	(xrf1) =	vsort.dscd.msk.f32 $0xffff, v51, v34;
	_ =	sdelay $0xc  }
0xf3: {  	v54 =	vld [tilespmem:$0x230];
	v38, v39, _ =	vpop (xrf1)  }
0xf4: {  	v55, v56, _ =	vpop (xrf1)  }
0xf5: {  	vm12 =	vge.f32 v38, v55  }
0xf6: {  	v38 =	vmax.f32 v38, v55;
	v39 =	vsel vm12, v39, v56  }
0xf7: {  	(xrf1) =	vsort.ascd.msk.f32 $0xffff, v38, v39  }
0xf8: {  	(xrf1) =	vsort.dscd.msk.f32 $0xffff, v54, v35;
	_ =	sdelay $0xc  }
0xf9: {  	v57 =	vld [tilespmem:$0x240];
	v38, v39, _ =	vpop (xrf1)  }
0xfa: {  	v58, v59, _ =	vpop (xrf1)  }
0xfb: {  	vm13 =	vge.f32 v38, v58  }
0xfc: {  	v38 =	vmax.f32 v38, v58;
	v39 =	vsel vm13, v39, v59  }
0xfd: {  	(xrf1) =	vsort.ascd.msk.f32 $0xffff, v38, v39  }
0xfe: {  	(xrf1) =	vsort.dscd.msk.f32 $0xffff, v57, v36;
	_ =	sdelay $0xc  }
0xff: {  	v60 =	vld [tilespmem:$0x250];
	v38, v39, _ =	vpop (xrf1)  }
0x100: {  	v61, v62, _ =	vpop (xrf1)  }
0x101: {  	vm14 =	vge.f32 v38, v61  }
0x102: {  	v38 =	vmax.f32 v38, v61;
	v39 =	vsel vm14, v39, v62  }
0x103: {  	(xrf1) =	vsort.ascd.msk.f32 $0xffff, v38, v39  }
0x104: {  	(xrf1) =	vsort.dscd.msk.f32 $0xffff, v60, v37;
	_ =	sdelay $0xc  }
0x105: {  	v38, v39, _ =	vpop (xrf1)  }
0x106: {  	v40, v63, _ =	vpop (xrf1)  }
0x107: {  	vm15 =	vge.f32 v38, v40  }
0x108: {  	v38 =	vmax.f32 v38, v40;
	v39 =	vsel vm15, v39, v63  }
0x109: {  	(xrf1) =	vsort.ascd.msk.f32 $0xffff, v38, v39;
	_ =	sdelay $0x5  }
0x10a: {  	s22 =	sadd.s32 $0x2, s21  }
0x10b: {  	p0 =	sge.u32 s22, s4  }
0x10c: {  	s22 =	sadd.s32 @!p0 s21, s10  }
0x10d: {  	s22 =	sadd.s32 @!p0 $0x2, s22  }
0x10e: {  	s22 =	sshrl.u32 @!p0 s22, $0x3  }
0x10f: {  	s23 =	sadd.s32 @!p0 $0x100, s20;
	s22 =	smul.u32 @!p0 $0x1400, s22  }
0x110: {  	s23 =	sand.u32 @!p0 $0x380, s23  }
0x111: {  	s22 =	sor.u32 @!p0 s23, s22  }
0x112: {  	s24 =	simm.s32 @!p0 $0x400;
	s22 =	sshrl.u32 @!p0 s22, $0x3;
	_, v38, _ =	vpop (xrf1)  }
0x113: {  	s25 =	simm.s32 @!p0 $0x0;
	s23 =	simm.s32 @!p0 $0x80;
	s22 =	sadd.s32 @!p0 s3, s22;
	[tilespmem:s19+$0xFFFFFF80] =	vst v38  }
0x114: {  	[tilespmem:s25], [sflag:$0x1] =	stream.strided.gather @!p0 [hbm4b:s22+s23], $0x280, s24, s23, $0x38;
	[tilespmem:$0x1100] =	vst v63  }
.LBB2_4:
0x115: {  	s22 =	sadd.s32 $0x1, s21  }
0x116: {  	p0 =	sge.u32 s22, s4  }
.Ltmp5:
0x117: {  	_ = 	snop;
	(pc) =	sbr.rel @p0 .LBB2_6-.Ltmp5, $1  }
0x118: {  	_ =	sdelay $0x3  }
0x119: {  	_ =	swait.ge [sflag:s15], $0x280  }
0x11a: {  	[sflag:s15] =	ssyncset.done $0x0  }
0x11b: {  	[sflag:s15] =	ssyncadd.s32 $0xFFFFFD80  }
0x11c: {  	v38 =	vld [tilespmem:$0x280]  }
0x11d: {  	v39 =	vld [tilespmem:$0x290];
	_ =	sdelay $0x3  }
0x11e: {  	(xrf1) =	vsort.ascd.msk.f32 $0xffff, v38, v0  }
0x11f: {  	(xrf1) =	vsort.dscd.msk.f32 $0xffff, v39, v1;
	_ =	sdelay $0xc  }
0x120: {  	v40 =	vld [tilespmem:$0x2A0];
	v38, v52, _ =	vpop (xrf1)  }
0x121: {  	v41, v42, _ =	vpop (xrf1)  }
0x122: {  	vm0 =	vge.f32 v38, v41  }
0x123: {  	v38 =	vmax.f32 v38, v41;
	v39 =	vsel vm0, v52, v42  }
0x124: {  	(xrf1) =	vsort.ascd.msk.f32 $0xffff, v38, v39  }
0x125: {  	(xrf1) =	vsort.dscd.msk.f32 $0xffff, v40, v2;
	_ =	sdelay $0xc  }
0x126: {  	v53 =	vld [tilespmem:$0x2B0];
	v38, v39, _ =	vpop (xrf1)  }
0x127: {  	v54, v55, _ =	vpop (xrf1)  }
0x128: {  	vm4 =	vge.f32 v38, v54  }
0x129: {  	v38 =	vmax.f32 v38, v54;
	v39 =	vsel vm4, v39, v55  }
0x12a: {  	(xrf1) =	vsort.ascd.msk.f32 $0xffff, v38, v39  }
0x12b: {  	(xrf1) =	vsort.dscd.msk.f32 $0xffff, v53, v3;
	_ =	sdelay $0xc  }
0x12c: {  	v56 =	vld [tilespmem:$0x2C0];
	v38, v39, _ =	vpop (xrf1)  }
0x12d: {  	v57, v58, _ =	vpop (xrf1)  }
0x12e: {  	vm5 =	vge.f32 v38, v57  }
0x12f: {  	v38 =	vmax.f32 v38, v57;
	v39 =	vsel vm5, v39, v58  }
0x130: {  	(xrf1) =	vsort.ascd.msk.f32 $0xffff, v38, v39  }
0x131: {  	(xrf1) =	vsort.dscd.msk.f32 $0xffff, v56, v4;
	_ =	sdelay $0xc  }
0x132: {  	v59 =	vld [tilespmem:$0x2D0];
	v38, v39, _ =	vpop (xrf1)  }
0x133: {  	v60, v61, _ =	vpop (xrf1)  }
0x134: {  	vm6 =	vge.f32 v38, v60  }
0x135: {  	v38 =	vmax.f32 v38, v60;
	v39 =	vsel vm6, v39, v61  }
0x136: {  	(xrf1) =	vsort.ascd.msk.f32 $0xffff, v38, v39  }
0x137: {  	(xrf1) =	vsort.dscd.msk.f32 $0xffff, v59, v5;
	_ =	sdelay $0xc  }
0x138: {  	v62 =	vld [tilespmem:$0x2E0];
	v38, v39, _ =	vpop (xrf1)  }
0x139: {  	v63, v45, _ =	vpop (xrf1)  }
0x13a: {  	vm7 =	vge.f32 v38, v63  }
0x13b: {  	v38 =	vmax.f32 v38, v63;
	v39 =	vsel vm7, v39, v45  }
0x13c: {  	(xrf1) =	vsort.ascd.msk.f32 $0xffff, v38, v39  }
0x13d: {  	(xrf1) =	vsort.dscd.msk.f32 $0xffff, v62, v6;
	_ =	sdelay $0xc  }
0x13e: {  	v46 =	vld [tilespmem:$0x2F0];
	v38, v39, _ =	vpop (xrf1)  }
0x13f: {  	v47, v48, _ =	vpop (xrf1)  }
0x140: {  	vm8 =	vge.f32 v38, v47  }
0x141: {  	v38 =	vmax.f32 v38, v47;
	v39 =	vsel vm8, v39, v48  }
0x142: {  	(xrf1) =	vsort.ascd.msk.f32 $0xffff, v38, v39  }
0x143: {  	(xrf1) =	vsort.dscd.msk.f32 $0xffff, v46, v7;
	_ =	sdelay $0xc  }
0x144: {  	v49 =	vld [tilespmem:$0x300];
	v38, v39, _ =	vpop (xrf1)  }
0x145: {  	v50, v51, _ =	vpop (xrf1)  }
0x146: {  	vm9 =	vge.f32 v38, v50  }
0x147: {  	v38 =	vmax.f32 v38, v50;
	v39 =	vsel vm9, v39, v51  }
0x148: {  	(xrf1) =	vsort.ascd.msk.f32 $0xffff, v38, v39  }
0x149: {  	(xrf1) =	vsort.dscd.msk.f32 $0xffff, v49, v8;
	_ =	sdelay $0xc  }
0x14a: {  	v52 =	vld [tilespmem:$0x310];
	v38, v39, _ =	vpop (xrf1)  }
0x14b: {  	v53, v54, _ =	vpop (xrf1)  }
0x14c: {  	vm10 =	vge.f32 v38, v53  }
0x14d: {  	v38 =	vmax.f32 v38, v53;
	v39 =	vsel vm10, v39, v54  }
0x14e: {  	(xrf1) =	vsort.ascd.msk.f32 $0xffff, v38, v39  }
0x14f: {  	(xrf1) =	vsort.dscd.msk.f32 $0xffff, v52, v9;
	_ =	sdelay $0xc  }
0x150: {  	v55 =	vld [tilespmem:$0x320];
	v38, v39, _ =	vpop (xrf1)  }
0x151: {  	v56, v57, _ =	vpop (xrf1)  }
0x152: {  	vm11 =	vge.f32 v38, v56  }
0x153: {  	v38 =	vmax.f32 v38, v56;
	v39 =	vsel vm11, v39, v57  }
0x154: {  	(xrf1) =	vsort.ascd.msk.f32 $0xffff, v38, v39  }
0x155: {  	(xrf1) =	vsort.dscd.msk.f32 $0xffff, v55, v10;
	_ =	sdelay $0xc  }
0x156: {  	v58 =	vld [tilespmem:$0x330];
	v38, v39, _ =	vpop (xrf1)  }
0x157: {  	v59, v60, _ =	vpop (xrf1)  }
0x158: {  	vm12 =	vge.f32 v38, v59  }
0x159: {  	v38 =	vmax.f32 v38, v59;
	v39 =	vsel vm12, v39, v60  }
0x15a: {  	(xrf1) =	vsort.ascd.msk.f32 $0xffff, v38, v39  }
0x15b: {  	(xrf1) =	vsort.dscd.msk.f32 $0xffff, v58, v11;
	_ =	sdelay $0xc  }
0x15c: {  	v61 =	vld [tilespmem:$0x340];
	v38, v39, _ =	vpop (xrf1)  }
0x15d: {  	v62, v63, _ =	vpop (xrf1)  }
0x15e: {  	vm13 =	vge.f32 v38, v62  }
0x15f: {  	v38 =	vmax.f32 v38, v62;
	v39 =	vsel vm13, v39, v63  }
0x160: {  	(xrf1) =	vsort.ascd.msk.f32 $0xffff, v38, v39  }
0x161: {  	(xrf1) =	vsort.dscd.msk.f32 $0xffff, v61, v12;
	_ =	sdelay $0xc  }
0x162: {  	v45 =	vld [tilespmem:$0x350];
	v38, v39, _ =	vpop (xrf1)  }
0x163: {  	v46, v47, _ =	vpop (xrf1)  }
0x164: {  	vm14 =	vge.f32 v38, v46  }
0x165: {  	v38 =	vmax.f32 v38, v46;
	v39 =	vsel vm14, v39, v47  }
0x166: {  	(xrf1) =	vsort.ascd.msk.f32 $0xffff, v38, v39  }
0x167: {  	(xrf1) =	vsort.dscd.msk.f32 $0xffff, v45, v13;
	_ =	sdelay $0xc  }
0x168: {  	v48 =	vld [tilespmem:$0x360];
	v38, v39, _ =	vpop (xrf1)  }
0x169: {  	v49, v50, _ =	vpop (xrf1)  }
0x16a: {  	vm15 =	vge.f32 v38, v49  }
0x16b: {  	v38 =	vmax.f32 v38, v49;
	v39 =	vsel vm15, v39, v50  }
0x16c: {  	(xrf1) =	vsort.ascd.msk.f32 $0xffff, v38, v39  }
0x16d: {  	(xrf1) =	vsort.dscd.msk.f32 $0xffff, v48, v14;
	_ =	sdelay $0xc  }
0x16e: {  	v51 =	vld [tilespmem:$0x370];
	v38, v39, _ =	vpop (xrf1)  }
0x16f: {  	v52, v53, _ =	vpop (xrf1)  }
0x170: {  	vm4 =	vge.f32 v38, v52  }
0x171: {  	v38 =	vmax.f32 v38, v52;
	v39 =	vsel vm4, v39, v53  }
0x172: {  	(xrf1) =	vsort.ascd.msk.f32 $0xffff, v38, v39  }
0x173: {  	(xrf1) =	vsort.dscd.msk.f32 $0xffff, v51, v15;
	_ =	sdelay $0xc  }
0x174: {  	v54 =	vld [tilespmem:$0x380];
	v38, v39, _ =	vpop (xrf1)  }
0x175: {  	v55, v56, _ =	vpop (xrf1)  }
0x176: {  	vm5 =	vge.f32 v38, v55  }
0x177: {  	v38 =	vmax.f32 v38, v55;
	v39 =	vsel vm5, v39, v56  }
0x178: {  	(xrf1) =	vsort.ascd.msk.f32 $0xffff, v38, v39  }
0x179: {  	(xrf1) =	vsort.dscd.msk.f32 $0xffff, v54, v16;
	_ =	sdelay $0xc  }
0x17a: {  	v57 =	vld [tilespmem:$0x390];
	v38, v39, _ =	vpop (xrf1)  }
0x17b: {  	v58, v59, _ =	vpop (xrf1)  }
0x17c: {  	vm6 =	vge.f32 v38, v58  }
0x17d: {  	v38 =	vmax.f32 v38, v58;
	v39 =	vsel vm6, v39, v59  }
0x17e: {  	(xrf1) =	vsort.ascd.msk.f32 $0xffff, v38, v39  }
0x17f: {  	(xrf1) =	vsort.dscd.msk.f32 $0xffff, v57, v17;
	_ =	sdelay $0xc  }
0x180: {  	v60 =	vld [tilespmem:$0x3A0];
	v38, v39, _ =	vpop (xrf1)  }
0x181: {  	v61, v62, _ =	vpop (xrf1)  }
0x182: {  	vm7 =	vge.f32 v38, v61  }
0x183: {  	v38 =	vmax.f32 v38, v61;
	v39 =	vsel vm7, v39, v62  }
0x184: {  	(xrf1) =	vsort.ascd.msk.f32 $0xffff, v38, v39  }
0x185: {  	(xrf1) =	vsort.dscd.msk.f32 $0xffff, v60, v18;
	_ =	sdelay $0xc  }
0x186: {  	v63 =	vld [tilespmem:$0x3B0];
	v38, v39, _ =	vpop (xrf1)  }
0x187: {  	v45, v46, _ =	vpop (xrf1)  }
0x188: {  	vm8 =	vge.f32 v38, v45  }
0x189: {  	v38 =	vmax.f32 v38, v45;
	v39 =	vsel vm8, v39, v46  }
0x18a: {  	(xrf1) =	vsort.ascd.msk.f32 $0xffff, v38, v39  }
0x18b: {  	(xrf1) =	vsort.dscd.msk.f32 $0xffff, v63, v19;
	_ =	sdelay $0xc  }
0x18c: {  	v47 =	vld [tilespmem:$0x3C0];
	v38, v39, _ =	vpop (xrf1)  }
0x18d: {  	v48, v49, _ =	vpop (xrf1)  }
0x18e: {  	vm9 =	vge.f32 v38, v48  }
0x18f: {  	v38 =	vmax.f32 v38, v48;
	v39 =	vsel vm9, v39, v49  }
0x190: {  	(xrf1) =	vsort.ascd.msk.f32 $0xffff, v38, v39  }
0x191: {  	(xrf1) =	vsort.dscd.msk.f32 $0xffff, v47, v20;
	_ =	sdelay $0xc  }
0x192: {  	v50 =	vld [tilespmem:$0x3D0];
	v38, v39, _ =	vpop (xrf1)  }
0x193: {  	v51, v52, _ =	vpop (xrf1)  }
0x194: {  	vm10 =	vge.f32 v38, v51  }
0x195: {  	v38 =	vmax.f32 v38, v51;
	v39 =	vsel vm10, v39, v52  }
0x196: {  	(xrf1) =	vsort.ascd.msk.f32 $0xffff, v38, v39  }
0x197: {  	(xrf1) =	vsort.dscd.msk.f32 $0xffff, v50, v21;
	_ =	sdelay $0xc  }
0x198: {  	v53 =	vld [tilespmem:$0x3E0];
	v38, v39, _ =	vpop (xrf1)  }
0x199: {  	v54, v55, _ =	vpop (xrf1)  }
0x19a: {  	vm11 =	vge.f32 v38, v54  }
0x19b: {  	v38 =	vmax.f32 v38, v54;
	v39 =	vsel vm11, v39, v55  }
0x19c: {  	(xrf1) =	vsort.ascd.msk.f32 $0xffff, v38, v39  }
0x19d: {  	(xrf1) =	vsort.dscd.msk.f32 $0xffff, v53, v22;
	_ =	sdelay $0xc  }
0x19e: {  	v56 =	vld [tilespmem:$0x3F0];
	v38, v39, _ =	vpop (xrf1)  }
0x19f: {  	v57, v58, _ =	vpop (xrf1)  }
0x1a0: {  	vm12 =	vge.f32 v38, v57  }
0x1a1: {  	v38 =	vmax.f32 v38, v57;
	v39 =	vsel vm12, v39, v58  }
0x1a2: {  	(xrf1) =	vsort.ascd.msk.f32 $0xffff, v38, v39  }
0x1a3: {  	(xrf1) =	vsort.dscd.msk.f32 $0xffff, v56, v23;
	_ =	sdelay $0xc  }
0x1a4: {  	v59 =	vld [tilespmem:$0x400];
	v38, v39, _ =	vpop (xrf1)  }
0x1a5: {  	v60, v61, _ =	vpop (xrf1)  }
0x1a6: {  	vm13 =	vge.f32 v38, v60  }
0x1a7: {  	v38 =	vmax.f32 v38, v60;
	v39 =	vsel vm13, v39, v61  }
0x1a8: {  	(xrf1) =	vsort.ascd.msk.f32 $0xffff, v38, v39  }
0x1a9: {  	(xrf1) =	vsort.dscd.msk.f32 $0xffff, v59, v24;
	_ =	sdelay $0xc  }
0x1aa: {  	v62 =	vld [tilespmem:$0x410];
	v38, v39, _ =	vpop (xrf1)  }
0x1ab: {  	v63, v45, _ =	vpop (xrf1)  }
0x1ac: {  	vm14 =	vge.f32 v38, v63  }
0x1ad: {  	v38 =	vmax.f32 v38, v63;
	v39 =	vsel vm14, v39, v45  }
0x1ae: {  	(xrf1) =	vsort.ascd.msk.f32 $0xffff, v38, v39  }
0x1af: {  	(xrf1) =	vsort.dscd.msk.f32 $0xffff, v62, v25;
	_ =	sdelay $0xc  }
0x1b0: {  	v46 =	vld [tilespmem:$0x420];
	v38, v39, _ =	vpop (xrf1)  }
0x1b1: {  	v47, v48, _ =	vpop (xrf1)  }
0x1b2: {  	vm15 =	vge.f32 v38, v47  }
0x1b3: {  	v38 =	vmax.f32 v38, v47;
	v39 =	vsel vm15, v39, v48  }
0x1b4: {  	(xrf1) =	vsort.ascd.msk.f32 $0xffff, v38, v39  }
0x1b5: {  	(xrf1) =	vsort.dscd.msk.f32 $0xffff, v46, v26;
	_ =	sdelay $0xc  }
0x1b6: {  	v49 =	vld [tilespmem:$0x430];
	v38, v39, _ =	vpop (xrf1)  }
0x1b7: {  	v50, v51, _ =	vpop (xrf1)  }
0x1b8: {  	vm4 =	vge.f32 v38, v50  }
0x1b9: {  	v38 =	vmax.f32 v38, v50;
	v39 =	vsel vm4, v39, v51  }
0x1ba: {  	(xrf1) =	vsort.ascd.msk.f32 $0xffff, v38, v39  }
0x1bb: {  	(xrf1) =	vsort.dscd.msk.f32 $0xffff, v49, v27;
	_ =	sdelay $0xc  }
0x1bc: {  	v52 =	vld [tilespmem:$0x440];
	v38, v39, _ =	vpop (xrf1)  }
0x1bd: {  	v53, v54, _ =	vpop (xrf1)  }
0x1be: {  	vm5 =	vge.f32 v38, v53  }
0x1bf: {  	v38 =	vmax.f32 v38, v53;
	v39 =	vsel vm5, v39, v54  }
0x1c0: {  	(xrf1) =	vsort.ascd.msk.f32 $0xffff, v38, v39  }
0x1c1: {  	(xrf1) =	vsort.dscd.msk.f32 $0xffff, v52, v28;
	_ =	sdelay $0xc  }
0x1c2: {  	v55 =	vld [tilespmem:$0x450];
	v38, v39, _ =	vpop (xrf1)  }
0x1c3: {  	v56, v57, _ =	vpop (xrf1)  }
0x1c4: {  	vm6 =	vge.f32 v38, v56  }
0x1c5: {  	v38 =	vmax.f32 v38, v56;
	v39 =	vsel vm6, v39, v57  }
0x1c6: {  	(xrf1) =	vsort.ascd.msk.f32 $0xffff, v38, v39  }
0x1c7: {  	(xrf1) =	vsort.dscd.msk.f32 $0xffff, v55, v29;
	_ =	sdelay $0xc  }
0x1c8: {  	v58 =	vld [tilespmem:$0x460];
	v38, v39, _ =	vpop (xrf1)  }
0x1c9: {  	v59, v60, _ =	vpop (xrf1)  }
0x1ca: {  	vm7 =	vge.f32 v38, v59  }
0x1cb: {  	v38 =	vmax.f32 v38, v59;
	v39 =	vsel vm7, v39, v60  }
0x1cc: {  	(xrf1) =	vsort.ascd.msk.f32 $0xffff, v38, v39  }
0x1cd: {  	(xrf1) =	vsort.dscd.msk.f32 $0xffff, v58, v30;
	_ =	sdelay $0xc  }
0x1ce: {  	v61 =	vld [tilespmem:$0x470];
	v38, v39, _ =	vpop (xrf1)  }
0x1cf: {  	v62, v63, _ =	vpop (xrf1)  }
0x1d0: {  	vm8 =	vge.f32 v38, v62  }
0x1d1: {  	v38 =	vmax.f32 v38, v62;
	v39 =	vsel vm8, v39, v63  }
0x1d2: {  	(xrf1) =	vsort.ascd.msk.f32 $0xffff, v38, v39  }
0x1d3: {  	(xrf1) =	vsort.dscd.msk.f32 $0xffff, v61, v31;
	_ =	sdelay $0xc  }
0x1d4: {  	v45 =	vld [tilespmem:$0x480];
	v38, v39, _ =	vpop (xrf1)  }
0x1d5: {  	v46, v47, _ =	vpop (xrf1)  }
0x1d6: {  	vm9 =	vge.f32 v38, v46  }
0x1d7: {  	v38 =	vmax.f32 v38, v46;
	v39 =	vsel vm9, v39, v47  }
0x1d8: {  	(xrf1) =	vsort.ascd.msk.f32 $0xffff, v38, v39  }
0x1d9: {  	(xrf1) =	vsort.dscd.msk.f32 $0xffff, v45, v32;
	_ =	sdelay $0xc  }
0x1da: {  	v48 =	vld [tilespmem:$0x490];
	v38, v39, _ =	vpop (xrf1)  }
0x1db: {  	v49, v50, _ =	vpop (xrf1)  }
0x1dc: {  	vm10 =	vge.f32 v38, v49  }
0x1dd: {  	v38 =	vmax.f32 v38, v49;
	v39 =	vsel vm10, v39, v50  }
0x1de: {  	(xrf1) =	vsort.ascd.msk.f32 $0xffff, v38, v39  }
0x1df: {  	(xrf1) =	vsort.dscd.msk.f32 $0xffff, v48, v33;
	_ =	sdelay $0xc  }
0x1e0: {  	v51 =	vld [tilespmem:$0x4A0];
	v38, v39, _ =	vpop (xrf1)  }
0x1e1: {  	v52, v53, _ =	vpop (xrf1)  }
0x1e2: {  	vm11 =	vge.f32 v38, v52  }
0x1e3: {  	v38 =	vmax.f32 v38, v52;
	v39 =	vsel vm11, v39, v53  }
0x1e4: {  	(xrf1) =	vsort.ascd.msk.f32 $0xffff, v38, v39  }
0x1e5: {  	(xrf1) =	vsort.dscd.msk.f32 $0xffff, v51, v34;
	_ =	sdelay $0xc  }
0x1e6: {  	v54 =	vld [tilespmem:$0x4B0];
	v38, v39, _ =	vpop (xrf1)  }
0x1e7: {  	v55, v56, _ =	vpop (xrf1)  }
0x1e8: {  	vm12 =	vge.f32 v38, v55  }
0x1e9: {  	v38 =	vmax.f32 v38, v55;
	v39 =	vsel vm12, v39, v56  }
0x1ea: {  	(xrf1) =	vsort.ascd.msk.f32 $0xffff, v38, v39  }
0x1eb: {  	(xrf1) =	vsort.dscd.msk.f32 $0xffff, v54, v35;
	_ =	sdelay $0xc  }
0x1ec: {  	v57 =	vld [tilespmem:$0x4C0];
	v38, v39, _ =	vpop (xrf1)  }
0x1ed: {  	v58, v59, _ =	vpop (xrf1)  }
0x1ee: {  	vm13 =	vge.f32 v38, v58  }
0x1ef: {  	v38 =	vmax.f32 v38, v58;
	v39 =	vsel vm13, v39, v59  }
0x1f0: {  	(xrf1) =	vsort.ascd.msk.f32 $0xffff, v38, v39  }
0x1f1: {  	(xrf1) =	vsort.dscd.msk.f32 $0xffff, v57, v36;
	_ =	sdelay $0xc  }
0x1f2: {  	v60 =	vld [tilespmem:$0x4D0];
	v38, v39, _ =	vpop (xrf1)  }
0x1f3: {  	v61, v62, _ =	vpop (xrf1)  }
0x1f4: {  	vm14 =	vge.f32 v38, v61  }
0x1f5: {  	v38 =	vmax.f32 v38, v61;
	v39 =	vsel vm14, v39, v62  }
0x1f6: {  	(xrf1) =	vsort.ascd.msk.f32 $0xffff, v38, v39  }
0x1f7: {  	(xrf1) =	vsort.dscd.msk.f32 $0xffff, v60, v37;
	_ =	sdelay $0xc  }
0x1f8: {  	v38, v39, _ =	vpop (xrf1)  }
0x1f9: {  	v40, v63, _ =	vpop (xrf1)  }
0x1fa: {  	vm15 =	vge.f32 v38, v40  }
0x1fb: {  	v38 =	vmax.f32 v38, v40;
	v39 =	vsel vm15, v39, v63  }
0x1fc: {  	(xrf1) =	vsort.ascd.msk.f32 $0xffff, v38, v39;
	_ =	sdelay $0x5  }
0x1fd: {  	s22 =	sadd.s32 $0x3, s21  }
0x1fe: {  	p0 =	sge.u32 s22, s4  }
0x1ff: {  	s22 =	sadd.s32 @!p0 s21, s10  }
0x200: {  	s22 =	sadd.s32 @!p0 $0x3, s22  }
0x201: {  	s22 =	sshrl.u32 @!p0 s22, $0x3  }
0x202: {  	s23 =	sadd.s32 @!p0 $0x180, s20;
	s22 =	smul.u32 @!p0 $0x1400, s22  }
.Ltmp6:
0x203: {  	s23 =	sand.u32 @!p0 $0x380, s23;
	(pc) =	sbr.rel .LBB2_6-.Ltmp6, $4  }
0x204: {  	s22 =	sor.u32 @!p0 s23, s22  }
0x205: {  	s24 =	simm.s32 @!p0 $0x400;
	s22 =	sshrl.u32 @!p0 s22, $0x3;
	_, v38, _ =	vpop (xrf1)  }
0x206: {  	s25 =	simm.s32 @!p0 $0x280;
	s23 =	simm.s32 @!p0 $0x80;
	s22 =	sadd.s32 @!p0 s3, s22;
	[tilespmem:s19+$0x0] =	vst v38  }
0x207: {  	[tilespmem:s25], [sflag:$0x2] =	stream.strided.gather @!p0 [hbm4b:s22+s23], $0x280, s24, s23, $0x38;
	[tilespmem:$0x1100] =	vst v63  }
.LBB2_8:
0x208: {  	_ =	sfence.sel $0x180000  }
0x209: {  	[bflag:$0x0] =	sbarrier.arrive $0xFFFF  }
0x20a: {  	p0 =	sne.s32 s0, $0x0;
	_ =	strace $0x90000047  }
0x20b: {  	s0 =	sadd.s32 @!p0 $0x100000, s1;
	[bflag:$0x2] =	sbarrier.arrive $0xFFFF  }
0x20c: {  	[sflag:s0] =	ssyncadd.tile.s32 @!p0 $0x1;
	_ =	shalt  }
.Lfunc_end2:
_tile_overlayer_lowered:
.L_overlay_start_2:
0x20d: {  	(tag) =	ssettag $0x2  }
0x20e: {  	s0 =	rddreg [dreg:$0x0];
	s2 =	stileid.u32  }
0x20f: {  	s1 =	rddreg [dreg:$0x1];
	p0 =	sne.s32 s2, $0x0  }
0x210: {  	s3 =	rddreg [dreg:$0x2];
	[bflag:$0x3] =	sbarrier.arrive $0xFFFF;
	s2 =	simm.s32 @!p0 $0x1C03  }
0x211: {  	[timem:s3], [sflag:s2] =	dma.local @!p0 [hbm:s0], s1  }
0x212: {  	s0 =	simm.s32 @!p0 $0x3  }
0x213: {  	_ =	swait.ge @!p0 [sflag:s0], s1  }
0x214: {  	s1 =	ssub.s32 @!p0 $0x0, s1;
	[sflag:s0] =	ssyncset.done @!p0 $0x0  }
0x215: {  	[sflag:s0] =	ssyncadd.s32 @!p0 s1  }
0x216: {  	[bflag:$0x3] =	sbarrier.arrive $0xFFFF  }
0x217: {  	_ =	shalt  }

</sc_bundles>
